<compile_context>
chip_gen: v7x
topology: tpu7x:2x2x1
jax: 0.10.2.dev20260603
libtpu: 0.0.44.dev20260713+nightly
codegen_flags: <defaults>
</compile_context>

<pallas_src>
import math

import jax
import jax.numpy as jnp
from jax import lax
from jax.experimental import pallas as pl
from jax.experimental.pallas import tpu as pltpu
from jax.experimental.pallas import tpu_sc as plsc

LEVEL_HW = [(80, 80), (40, 40), (20, 20)]
SIZES = [h * w for h, w in LEVEL_HW]
OFFS = [0, SIZES[0], SIZES[0] + SIZES[1]]
TOTAL = sum(SIZES)
N = 2048
OUT_CH = 1024
FPN_CH = [256, 512, 1024]

_B1 = 1.0 / (1.0 + 2.0 * math.exp(-1.0))
_A1 = math.exp(-1.0) / (1.0 + 2.0 * math.exp(-1.0))

NC, NS = 2, 16
NW = NC * NS
BPW = N // NW



def _pack_bf16_pair(a, b):
    ua = lax.bitcast_convert_type(a, jnp.uint32)
    ub = lax.bitcast_convert_type(b, jnp.uint32)
    ha = (ua + 0x7FFF + ((ua >> 16) & 1)) >> 16
    hb = (ub + 0x7FFF + ((ub >> 16) & 1)) >> 16
    return lax.bitcast_convert_type(ha | (hb << 16), jnp.int32)


_TGRID = 4


def _blur_rows(xfull, W, R):
    c_idx = lax.broadcasted_iota(jnp.int32, xfull.shape, 0) % W
    left = jnp.concatenate([xfull[:1], xfull[:-1]], axis=0)
    right = jnp.concatenate([xfull[1:], xfull[-1:]], axis=0)
    left = jnp.where(c_idx == 0, xfull, left)
    right = jnp.where(c_idx == W - 1, xfull, right)
    h = _B1 * xfull + _A1 * (left + right)
    return _B1 * h[W:W + R] + _A1 * (h[:R] + h[2 * W:2 * W + R])


def _blur_one(x, W):
    c_idx = lax.broadcasted_iota(jnp.int32, x.shape, 0) % W
    left = jnp.concatenate([x[:1], x[:-1]], axis=0)
    right = jnp.concatenate([x[1:], x[-1:]], axis=0)
    left = jnp.where(c_idx == 0, x, left)
    right = jnp.where(c_idx == W - 1, x, right)
    h = _B1 * x + _A1 * (left + right)
    up = jnp.concatenate([h[:W], h[:-W]], axis=0)
    dn = jnp.concatenate([h[W:], h[-W:]], axis=0)
    return _B1 * h + _A1 * (up + dn)


def _tables_body(x3, u3, d3, x4, u4, d4, x5, o3, o4, o5):
    for x, u, d, orr, (H, W), C in (
            (x3, u3, d3, o3, LEVEL_HW[0], FPN_CH[0]),
            (x4, u4, d4, o4, LEVEL_HW[1], FPN_CH[1])):
        R = (H * W) // _TGRID
        xfull = jnp.concatenate([u[...], x[...], d[...]], axis=0)
        b = _blur_rows(xfull, W, R)
        orr[...] = _pack_bf16_pair(b[:, :C // 2], b[:, C // 2:])

    @pl.when(pl.program_id(0) == 0)
    def _():
        b5 = _blur_one(x5[...], LEVEL_HW[2][1])
        o5[...] = _pack_bf16_pair(b5[:, :FPN_CH[2] // 2],
                                  b5[:, FPN_CH[2] // 2:])


def _mk_specs(lvl):
    H, W = LEVEL_HW[lvl]
    C = FPN_CH[lvl]
    R = (H * W) // _TGRID
    K = R // W
    nW = (H * W) // W

    def up_map(i):
        return (jnp.maximum(i * K - 1, 0), 0)

    def dn_map(i):
        return (jnp.minimum(i * K + K, nW - 1), 0)

    return [
        pl.BlockSpec((R, C), lambda i: (i, 0)),
        pl.BlockSpec((W, C), up_map),
        pl.BlockSpec((W, C), dn_map),
    ]


def _make_tables(p3f, p4f, p5f, interpret=False):
    in_specs = (_mk_specs(0) + _mk_specs(1)
                + [pl.BlockSpec((SIZES[2], FPN_CH[2]), lambda i: (0, 0))])
    out_specs = [
        pl.BlockSpec((SIZES[0] // _TGRID, FPN_CH[0] // 2), lambda i: (i, 0)),
        pl.BlockSpec((SIZES[1] // _TGRID, FPN_CH[1] // 2), lambda i: (i, 0)),
        pl.BlockSpec((SIZES[2], FPN_CH[2] // 2), lambda i: (0, 0)),
    ]
    return pl.pallas_call(
        _tables_body,
        grid=(_TGRID,),
        in_specs=in_specs,
        out_specs=out_specs,
        out_shape=tuple(
            jax.ShapeDtypeStruct((SIZES[i], FPN_CH[i] // 2), jnp.int32)
            for i in range(3)),
        interpret=interpret,
    )(p3f, p3f, p3f, p4f, p4f, p4f, p5f)



def _fdiv(x, d):
    return ((x.astype(jnp.float32) + 0.5) * (1.0 / d)).astype(jnp.int32)


def _decode_lins(v):
    lvl1 = v >= OFFS[1]
    lvl2 = v >= OFFS[2]
    local = v - jnp.where(lvl2, OFFS[2], jnp.where(lvl1, OFFS[1], 0))
    r_src = jnp.where(lvl2, _fdiv(local, 20),
                      jnp.where(lvl1, _fdiv(local, 40), _fdiv(local, 80)))
    s_src = jnp.where(lvl2, 20, jnp.where(lvl1, 40, 80))
    c_src = local - r_src * s_src
    nc = 2 * c_src + 1
    nr = 2 * r_src + 1
    lins = []
    for S in (80, 40, 20):
        mc = nc * S
        mr = nr * S
        ct = jnp.where(lvl2, _fdiv(mc, 40),
                       jnp.where(lvl1, _fdiv(mc, 80), _fdiv(mc, 160)))
        rt = jnp.where(lvl2, _fdiv(mr, 40),
                       jnp.where(lvl1, _fdiv(mr, 80), _fdiv(mr, 160)))
        lins.append(rt * S + ct)
    return lins


def _gather_body(t3, t4, t5, fidx, g3, g4, g5,
                 idx_v, lin3, lin4, lin5, rows3, rows4, rows5, sem):
    wid = lax.axis_index("s") * NC + lax.axis_index("c")
    base = wid * BPW
    pltpu.sync_copy(fidx.at[pl.ds(base, BPW)], idx_v)
    for j in range(BPW // 16):
        sl = pl.ds(j * 16, 16)
        l0, l1, l2 = _decode_lins(idx_v[sl])
        lin3[sl] = l0
        lin4[sl] = l1
        lin5[sl] = l2
    cp3 = pltpu.async_copy(t3.at[lin3], rows3, sem)
    cp4 = pltpu.async_copy(t4.at[lin4], rows4, sem)
    cp5 = pltpu.async_copy(t5.at[lin5], rows5, sem)
    cp3.wait()
    cp4.wait()
    cp5.wait()
    pltpu.sync_copy(rows3, g3.at[pl.ds(base, BPW)])
    pltpu.sync_copy(rows4, g4.at[pl.ds(base, BPW)])
    pltpu.sync_copy(rows5, g5.at[pl.ds(base, BPW)])


def _gather_sc(t3, t4, t5, fidx, interpret=False):
    mesh = plsc.VectorSubcoreMesh(core_axis_name="c", subcore_axis_name="s",
                                  num_cores=NC, num_subcores=NS)
    out_type = tuple(
        jax.ShapeDtypeStruct((N, FPN_CH[i] // 2), jnp.int32) for i in range(3))
    scratch = [
        pltpu.VMEM((BPW,), jnp.int32),
        pltpu.VMEM((BPW,), jnp.int32),
        pltpu.VMEM((BPW,), jnp.int32),
        pltpu.VMEM((BPW,), jnp.int32),
        pltpu.VMEM((BPW, FPN_CH[0] // 2), jnp.int32),
        pltpu.VMEM((BPW, FPN_CH[1] // 2), jnp.int32),
        pltpu.VMEM((BPW, FPN_CH[2] // 2), jnp.int32),
        pltpu.SemaphoreType.DMA,
    ]
    k = pl.kernel(_gather_body, out_type=out_type, mesh=mesh,
                  scratch_types=scratch, interpret=interpret)
    return k(t3, t4, t5, fidx)



_ROWS_BLK = 512


def _ln(x):
    m = jnp.mean(x, axis=1, keepdims=True)
    var = jnp.mean((x - m) ** 2, axis=1, keepdims=True)
    return (x - m) / jnp.sqrt(var + 1e-5)


def _unpack_bf16_pair(g):
    u = lax.bitcast_convert_type(g, jnp.uint32)
    lo = lax.bitcast_convert_type(u << 16, jnp.float32)
    hi = lax.bitcast_convert_type(u & jnp.uint32(0xFFFF0000), jnp.float32)
    return jnp.concatenate([lo, hi], axis=1)


def _head_body(g3, g4, g5, w3, w4, w5, wms, out):
    y3 = jnp.dot(_ln(_unpack_bf16_pair(g3[...])), w3[...],
                 preferred_element_type=jnp.float32)
    y4 = jnp.dot(_ln(_unpack_bf16_pair(g4[...])), w4[...],
                 preferred_element_type=jnp.float32)
    y5 = jnp.dot(_ln(_unpack_bf16_pair(g5[...])), w5[...],
                 preferred_element_type=jnp.float32)
    cat = jnp.concatenate([y3, y4, y5], axis=1)
    out[...] = jnp.dot(_ln(cat), wms[...], preferred_element_type=jnp.float32)


def _head(g3, g4, g5, W3, W4, W5, Wms, interpret=False):
    nblk = N // _ROWS_BLK
    return pl.pallas_call(
        _head_body,
        grid=(nblk,),
        in_specs=[
            pl.BlockSpec((_ROWS_BLK, FPN_CH[0] // 2), lambda i: (i, 0)),
            pl.BlockSpec((_ROWS_BLK, FPN_CH[1] // 2), lambda i: (i, 0)),
            pl.BlockSpec((_ROWS_BLK, FPN_CH[2] // 2), lambda i: (i, 0)),
            pl.BlockSpec((FPN_CH[0], OUT_CH), lambda i: (0, 0)),
            pl.BlockSpec((FPN_CH[1], OUT_CH), lambda i: (0, 0)),
            pl.BlockSpec((FPN_CH[2], OUT_CH), lambda i: (0, 0)),
            pl.BlockSpec((3 * OUT_CH, OUT_CH), lambda i: (0, 0)),
        ],
        out_specs=pl.BlockSpec((_ROWS_BLK, OUT_CH), lambda i: (i, 0)),
        out_shape=jax.ShapeDtypeStruct((N, OUT_CH), jnp.float32),
        interpret=interpret,
    )(g3, g4, g5, W3, W4, W5, Wms)



def kernel(p3, p4, p5, feat_idx, W3, W4, W5, Wms):
    p3f = p3[0].reshape(FPN_CH[0], SIZES[0]).T
    p4f = p4[0].reshape(FPN_CH[1], SIZES[1]).T
    p5f = p5[0].reshape(FPN_CH[2], SIZES[2]).T
    fidx = feat_idx.astype(jnp.int32)
    t3, t4, t5 = _make_tables(p3f, p4f, p5f)
    g3, g4, g5 = _gather_sc(t3, t4, t5, fidx)
    return _head(g3, g4, g5, W3, W4, W5, Wms)

# --- scband reference (transcript-rebuilt; emitter-appended) ---
"""Pipeline reference for scband-dampbox-feature-extractor-62508954026392 (READ-ONLY COPY).

The authoritative reference and input builder live on the scoring server;
editing this copy changes nothing except your own understanding.
"""

import jax, jax.numpy as jnp
import numpy as np
import math

LEVEL_HW = [(80, 80), (40, 40), (20, 20)]
FPN_CH = [256, 512, 1024]
OUT_CH = 1024
RADIUS = 1


def _layernorm(x, eps=1e-5):
    xf = x.astype(jnp.float32)
    m = xf.mean(axis=-1, keepdims=True)
    v = ((xf - m) ** 2).mean(axis=-1, keepdims=True)
    return (xf - m) / jnp.sqrt(v + eps)


def setup_inputs(seed: int = 0) -> dict:
    key = jax.random.key(seed)
    ks = jax.random.split(key, 8)
    p3 = jax.random.normal(ks[0], (1, 256, 80, 80), dtype=jnp.float32)
    p4 = jax.random.normal(ks[1], (1, 512, 40, 40), dtype=jnp.float32)
    p5 = jax.random.normal(ks[2], (1, 1024, 20, 20), dtype=jnp.float32)
    total_cells = sum(h * w for h, w in LEVEL_HW)  # 8400
    feat_idx = jax.random.randint(ks[3], (2048,), 0, total_cells, dtype=jnp.int64) if jax.config.jax_enable_x64 else jax.random.randint(ks[3], (2048,), 0, total_cells, dtype=jnp.int32)
    W3 = jax.random.normal(ks[4], (256, OUT_CH), dtype=jnp.float32) * 0.02
    W4 = jax.random.normal(ks[5], (512, OUT_CH), dtype=jnp.float32) * 0.02
    W5 = jax.random.normal(ks[6], (1024, OUT_CH), dtype=jnp.float32) * 0.02
    Wms = jax.random.normal(ks[7], (3 * OUT_CH, OUT_CH), dtype=jnp.float32) * 0.02
    return {"p3": p3, "p4": p4, "p5": p5, "feat_idx": feat_idx,
            "W3": W3, "W4": W4, "W5": W5, "Wms": Wms}


def reference(p3, p4, p5, feat_idx, W3, W4, W5, Wms):
    sizes = [h * w for h, w in LEVEL_HW]
    offsets = jnp.array([0, sizes[0], sizes[0] + sizes[1]], dtype=jnp.int32)
    H_t = jnp.array([h for h, w in LEVEL_HW], dtype=jnp.int32)
    W_t = jnp.array([w for h, w in LEVEL_HW], dtype=jnp.int32)

    idxs = feat_idx.astype(jnp.int32)
    # bucketize(idxs, offsets, right=True) - 1
    obj_level = jnp.searchsorted(offsets, idxs, side='right') - 1
    local_idx = idxs - offsets[obj_level]
    oW = W_t[obj_level]
    oH = H_t[obj_level]
    cx_frac = ((local_idx % oW).astype(jnp.float32) + 0.5) / oW.astype(jnp.float32)
    cy_frac = ((local_idx // oW).astype(jnp.float32) + 0.5) / oH.astype(jnp.float32)

    deltas = [(dr, dc) for dr in range(-RADIUS, RADIUS + 1) for dc in range(-RADIUS, RADIUS + 1)]
    w_np = np.array([math.exp(-(dr ** 2 + dc ** 2)) for dr, dc in deltas], dtype=np.float32)
    w_np = w_np / w_np.sum()

    ms_feats = []
    for feat, Wp, (H_i, W_i) in zip([p3, p4, p5], [W3, W4, W5], LEVEL_HW):
        C_i = feat.shape[1]
        r_i = jnp.clip((cy_frac * H_i).astype(jnp.int32), 0, H_i - 1)
        c_i = jnp.clip((cx_frac * W_i).astype(jnp.int32), 0, W_i - 1)
        flat = feat[0].reshape(C_i, H_i * W_i)  # B == 1 => batch_ids all zero
        acc = jnp.zeros((idxs.shape[0], C_i), dtype=jnp.float32)
        for (dr, dc), wi in zip(deltas, w_np):
            rn = jnp.clip(r_i + dr, 0, H_i - 1)
            cn = jnp.clip(c_i + dc, 0, W_i - 1)
            lin = rn * W_i + cn
            gathered = jnp.take(flat, lin, axis=1).T  # [N, C_i]
            acc = acc + float(wi) * gathered
        g = _layernorm(acc)
        ms_feats.append(g @ Wp)

    cat = jnp.concatenate(ms_feats, axis=-1)
    out = _layernorm(cat) @ Wms
    return out

if __name__ == "__main__":
    import jax
    _d = setup_inputs()
    print(jax.jit(kernel)(*tuple(_d.values())))

</pallas_src>

<mosaic_0001>
#map = affine_map<(d0, d1) -> (0, 0)>
#map1 = affine_map<(d0, d1) -> (0)>
module attributes {stable_mosaic.version = 14 : i64} {
  func.func @_gather_body(%arg0: i32, %arg1: i32, %arg2: memref<6400x128xi32, #tpu.memory_space<hbm>>, %arg3: memref<1600x256xi32, #tpu.memory_space<hbm>>, %arg4: memref<400x512xi32, #tpu.memory_space<hbm>>, %arg5: memref<2048xi32, #tpu.memory_space<hbm>>, %arg6: memref<2048x128xi32, #tpu.memory_space<hbm>>, %arg7: memref<2048x256xi32, #tpu.memory_space<hbm>>, %arg8: memref<2048x512xi32, #tpu.memory_space<hbm>>, %arg9: memref<64xi32, #tpu.memory_space<vmem>>, %arg10: memref<64xi32, #tpu.memory_space<vmem>>, %arg11: memref<64xi32, #tpu.memory_space<vmem>>, %arg12: memref<64xi32, #tpu.memory_space<vmem>>, %arg13: memref<64x128xi32, #tpu.memory_space<vmem>>, %arg14: memref<64x256xi32, #tpu.memory_space<vmem>>, %arg15: memref<64x512xi32, #tpu.memory_space<vmem>>, %arg16: memref<!tpu.dma_semaphore, #tpu.memory_space<semaphore_mem>>) attributes {dimension_semantics = [#tpu.dimension_semantics<core_parallel>, #tpu.dimension_semantics<subcore_parallel>], iteration_bounds = array<i64: 2, 16>, scalar_prefetch = 0 : i64, scratch_operands = 8 : i64, tpu.core_type = #tpu.core_type<sc_vector_subcore>, window_params = [{transform_indices = #map}, {transform_indices = #map}, {transform_indices = #map}, {transform_indices = #map1}, {transform_indices = #map}, {transform_indices = #map}, {transform_indices = #map}]} {
    %mul3A = arith.constant 2 : i32
    %mul3A_0 = arith.muli %arg1, %mul3A : i32
    %add3A = arith.addi %mul3A_0, %arg0 : i32
    %mul3A_1 = arith.constant 64 : i32
    %mul3A_2 = arith.muli %add3A, %mul3A_1 : i32
    "tpu.region"() ({
      %run_scoped3A = tpu.sem_alloc : memref<!tpu.dma_semaphore, #tpu.memory_space<semaphore_mem>>
      %dma_start3A_1067 = tpu.memref_slice %arg5[%mul3A_2] : memref<2048xi32, #tpu.memory_space<hbm>> -> memref<64xi32, #tpu.memory_space<hbm>>
      %dma_start3A_1068 = tpu.memref_slice %arg5[%mul3A_2] : memref<2048xi32, #tpu.memory_space<hbm>> -> memref<64xi32, #tpu.memory_space<hbm>>
      tpu.enqueue_dma source(%dma_start3A_1068 : memref<64xi32, #tpu.memory_space<hbm>>) target(%arg9 : memref<64xi32, #tpu.memory_space<vmem>>) target_semaphore(%run_scoped3A : memref<!tpu.dma_semaphore, #tpu.memory_space<semaphore_mem>>)
      %dma_wait3A_1069 = tpu.memref_slice %arg5[%mul3A_2] : memref<2048xi32, #tpu.memory_space<hbm>> -> memref<64xi32, #tpu.memory_space<hbm>>
      %dma_wait3A_1070 = tpu.memref_slice %arg5[%mul3A_2] : memref<2048xi32, #tpu.memory_space<hbm>> -> memref<64xi32, #tpu.memory_space<hbm>>
      tpu.wait_dma2 semaphore(%run_scoped3A : memref<!tpu.dma_semaphore, #tpu.memory_space<semaphore_mem>>) src(%dma_wait3A_1070 : memref<64xi32, #tpu.memory_space<hbm>>) dst(%arg9 : memref<64xi32, #tpu.memory_space<vmem>>)
      tpu.yield
    }) : () -> ()
    %get3A = arith.constant 0 : index
    %get3A_3 = tpu.vector_load %arg9[%get3A] {strides = array<i32>} : memref<64xi32, #tpu.memory_space<vmem>>, vector<16xi32>,
    %get3A_4 = vector.shape_cast %get3A_3 : vector<16xi32> to vector<16xi32>
    %ge3A = arith.constant 6400 : i32
    %ge3A_5 = vector.broadcast %ge3A : i32 to vector<16xi32>
    %ge3A_6 = arith.cmpi sge, %get3A_4, %ge3A_5 : vector<16xi32>
    %ge3A_7 = arith.constant 8000 : i32
    %ge3A_8 = vector.broadcast %ge3A_7 : i32 to vector<16xi32>
    %ge3A_9 = arith.cmpi sge, %get3A_4, %ge3A_8 : vector<16xi32>
    %jit3A = arith.constant 6400 : i32
    %jit3A_10 = arith.constant 0 : i32
    %broadcast_in_dim3A = vector.broadcast %jit3A : i32 to vector<16xi32>
    %broadcast_in_dim3A_11 = vector.broadcast %jit3A_10 : i32 to vector<16xi32>
    %select_n3A = arith.select %ge3A_6, %broadcast_in_dim3A, %broadcast_in_dim3A_11 : vector<16xi1>, vector<16xi32>
    %jit3A_12 = arith.constant 8000 : i32
    %broadcast_in_dim3A_13 = vector.broadcast %jit3A_12 : i32 to vector<16xi32>
    %select_n3A_14 = arith.select %ge3A_9, %broadcast_in_dim3A_13, %select_n3A : vector<16xi1>, vector<16xi32>
    %sub3A = arith.subi %get3A_4, %select_n3A_14 : vector<16xi32>
    %convert_element_type3A = arith.sitofp %sub3A : vector<16xi32> to vector<16xf32>
    %add3A_15 = arith.constant 5.000000e-01 : f32
    %add3A_16 = vector.broadcast %add3A_15 : f32 to vector<16xf32>
    %add3A_17 = arith.addf %convert_element_type3A, %add3A_16 : vector<16xf32>
    %mul3A_18 = arith.constant 5.000000e-02 : f32
    %mul3A_19 = vector.broadcast %mul3A_18 : f32 to vector<16xf32>
    %mul3A_20 = arith.mulf %add3A_17, %mul3A_19 : vector<16xf32>
    %convert_element_type3A_21 = arith.fptosi %mul3A_20 : vector<16xf32> to vector<16xi32>
    %convert_element_type3A_22 = arith.sitofp %sub3A : vector<16xi32> to vector<16xf32>
    %add3A_23 = arith.constant 5.000000e-01 : f32
    %add3A_24 = vector.broadcast %add3A_23 : f32 to vector<16xf32>
    %add3A_25 = arith.addf %convert_element_type3A_22, %add3A_24 : vector<16xf32>
    %mul3A_26 = arith.constant 2.500000e-02 : f32
    %mul3A_27 = vector.broadcast %mul3A_26 : f32 to vector<16xf32>
    %mul3A_28 = arith.mulf %add3A_25, %mul3A_27 : vector<16xf32>
    %convert_element_type3A_29 = arith.fptosi %mul3A_28 : vector<16xf32> to vector<16xi32>
    %convert_element_type3A_30 = arith.sitofp %sub3A : vector<16xi32> to vector<16xf32>
    %add3A_31 = arith.constant 5.000000e-01 : f32
    %add3A_32 = vector.broadcast %add3A_31 : f32 to vector<16xf32>
    %add3A_33 = arith.addf %convert_element_type3A_30, %add3A_32 : vector<16xf32>
    %mul3A_34 = arith.constant 1.250000e-02 : f32
    %mul3A_35 = vector.broadcast %mul3A_34 : f32 to vector<16xf32>
    %mul3A_36 = arith.mulf %add3A_33, %mul3A_35 : vector<16xf32>
    %convert_element_type3A_37 = arith.fptosi %mul3A_36 : vector<16xf32> to vector<16xi32>
    %select_n3A_38 = arith.select %ge3A_6, %convert_element_type3A_29, %convert_element_type3A_37 : vector<16xi1>, vector<16xi32>
    %select_n3A_39 = arith.select %ge3A_9, %convert_element_type3A_21, %select_n3A_38 : vector<16xi1>, vector<16xi32>
    %jit3A_40 = arith.constant 40 : i32
    %jit3A_41 = arith.constant 80 : i32
    %broadcast_in_dim3A_42 = vector.broadcast %jit3A_40 : i32 to vector<16xi32>
    %broadcast_in_dim3A_43 = vector.broadcast %jit3A_41 : i32 to vector<16xi32>
    %select_n3A_44 = arith.select %ge3A_6, %broadcast_in_dim3A_42, %broadcast_in_dim3A_43 : vector<16xi1>, vector<16xi32>
    %jit3A_45 = arith.constant 20 : i32
    %broadcast_in_dim3A_46 = vector.broadcast %jit3A_45 : i32 to vector<16xi32>
    %select_n3A_47 = arith.select %ge3A_9, %broadcast_in_dim3A_46, %select_n3A_44 : vector<16xi1>, vector<16xi32>
    %mul3A_48 = arith.muli %select_n3A_39, %select_n3A_47 : vector<16xi32>
    %sub3A_49 = arith.subi %sub3A, %mul3A_48 : vector<16xi32>
    %mul3A_50 = arith.constant 2 : i32
    %mul3A_51 = vector.broadcast %mul3A_50 : i32 to vector<16xi32>
    %mul3A_52 = arith.muli %mul3A_51, %sub3A_49 : vector<16xi32>
    %add3A_53 = arith.constant 1 : i32
    %add3A_54 = vector.broadcast %add3A_53 : i32 to vector<16xi32>
    %add3A_55 = arith.addi %mul3A_52, %add3A_54 : vector<16xi32>
    %mul3A_56 = arith.constant 2 : i32
    %mul3A_57 = vector.broadcast %mul3A_56 : i32 to vector<16xi32>
    %mul3A_58 = arith.muli %mul3A_57, %select_n3A_39 : vector<16xi32>
    %add3A_59 = arith.constant 1 : i32
    %add3A_60 = vector.broadcast %add3A_59 : i32 to vector<16xi32>
    %add3A_61 = arith.addi %mul3A_58, %add3A_60 : vector<16xi32>
    %mul3A_62 = arith.constant 80 : i32
    %mul3A_63 = vector.broadcast %mul3A_62 : i32 to vector<16xi32>
    %mul3A_64 = arith.muli %add3A_55, %mul3A_63 : vector<16xi32>
    %mul3A_65 = arith.constant 80 : i32
    %mul3A_66 = vector.broadcast %mul3A_65 : i32 to vector<16xi32>
    %mul3A_67 = arith.muli %add3A_61, %mul3A_66 : vector<16xi32>
    %convert_element_type3A_68 = arith.sitofp %mul3A_64 : vector<16xi32> to vector<16xf32>
    %add3A_69 = arith.constant 5.000000e-01 : f32
    %add3A_70 = vector.broadcast %add3A_69 : f32 to vector<16xf32>
    %add3A_71 = arith.addf %convert_element_type3A_68, %add3A_70 : vector<16xf32>
    %mul3A_72 = arith.constant 2.500000e-02 : f32
    %mul3A_73 = vector.broadcast %mul3A_72 : f32 to vector<16xf32>
    %mul3A_74 = arith.mulf %add3A_71, %mul3A_73 : vector<16xf32>
    %convert_element_type3A_75 = arith.fptosi %mul3A_74 : vector<16xf32> to vector<16xi32>
    %convert_element_type3A_76 = arith.sitofp %mul3A_64 : vector<16xi32> to vector<16xf32>
    %add3A_77 = arith.constant 5.000000e-01 : f32
    %add3A_78 = vector.broadcast %add3A_77 : f32 to vector<16xf32>
    %add3A_79 = arith.addf %convert_element_type3A_76, %add3A_78 : vector<16xf32>
    %mul3A_80 = arith.constant 1.250000e-02 : f32
    %mul3A_81 = vector.broadcast %mul3A_80 : f32 to vector<16xf32>
    %mul3A_82 = arith.mulf %add3A_79, %mul3A_81 : vector<16xf32>
    %convert_element_type3A_83 = arith.fptosi %mul3A_82 : vector<16xf32> to vector<16xi32>
    %convert_element_type3A_84 = arith.sitofp %mul3A_64 : vector<16xi32> to vector<16xf32>
    %add3A_85 = arith.constant 5.000000e-01 : f32
    %add3A_86 = vector.broadcast %add3A_85 : f32 to vector<16xf32>
    %add3A_87 = arith.addf %convert_element_type3A_84, %add3A_86 : vector<16xf32>
    %mul3A_88 = arith.constant 6.250000e-03 : f32
    %mul3A_89 = vector.broadcast %mul3A_88 : f32 to vector<16xf32>
    %mul3A_90 = arith.mulf %add3A_87, %mul3A_89 : vector<16xf32>
    %convert_element_type3A_91 = arith.fptosi %mul3A_90 : vector<16xf32> to vector<16xi32>
    %select_n3A_92 = arith.select %ge3A_6, %convert_element_type3A_83, %convert_element_type3A_91 : vector<16xi1>, vector<16xi32>
    %select_n3A_93 = arith.select %ge3A_9, %convert_element_type3A_75, %select_n3A_92 : vector<16xi1>, vector<16xi32>
    %convert_element_type3A_94 = arith.sitofp %mul3A_67 : vector<16xi32> to vector<16xf32>
    %add3A_95 = arith.constant 5.000000e-01 : f32
    %add3A_96 = vector.broadcast %add3A_95 : f32 to vector<16xf32>
    %add3A_97 = arith.addf %convert_element_type3A_94, %add3A_96 : vector<16xf32>
    %mul3A_98 = arith.constant 2.500000e-02 : f32
    %mul3A_99 = vector.broadcast %mul3A_98 : f32 to vector<16xf32>
    %mul3A_100 = arith.mulf %add3A_97, %mul3A_99 : vector<16xf32>
    %convert_element_type3A_101 = arith.fptosi %mul3A_100 : vector<16xf32> to vector<16xi32>
    %convert_element_type3A_102 = arith.sitofp %mul3A_67 : vector<16xi32> to vector<16xf32>
    %add3A_103 = arith.constant 5.000000e-01 : f32
    %add3A_104 = vector.broadcast %add3A_103 : f32 to vector<16xf32>
    %add3A_105 = arith.addf %convert_element_type3A_102, %add3A_104 : vector<16xf32>
    %mul3A_106 = arith.constant 1.250000e-02 : f32
    %mul3A_107 = vector.broadcast %mul3A_106 : f32 to vector<16xf32>
    %mul3A_108 = arith.mulf %add3A_105, %mul3A_107 : vector<16xf32>
    %convert_element_type3A_109 = arith.fptosi %mul3A_108 : vector<16xf32> to vector<16xi32>
    %convert_element_type3A_110 = arith.sitofp %mul3A_67 : vector<16xi32> to vector<16xf32>
    %add3A_111 = arith.constant 5.000000e-01 : f32
    %add3A_112 = vector.broadcast %add3A_111 : f32 to vector<16xf32>
    %add3A_113 = arith.addf %convert_element_type3A_110, %add3A_112 : vector<16xf32>
    %mul3A_114 = arith.constant 6.250000e-03 : f32
    %mul3A_115 = vector.broadcast %mul3A_114 : f32 to vector<16xf32>
    %mul3A_116 = arith.mulf %add3A_113, %mul3A_115 : vector<16xf32>
    %convert_element_type3A_117 = arith.fptosi %mul3A_116 : vector<16xf32> to vector<16xi32>
    %select_n3A_118 = arith.select %ge3A_6, %convert_element_type3A_109, %convert_element_type3A_117 : vector<16xi1>, vector<16xi32>
    %select_n3A_119 = arith.select %ge3A_9, %convert_element_type3A_101, %select_n3A_118 : vector<16xi1>, vector<16xi32>
    %mul3A_120 = arith.constant 80 : i32
    %mul3A_121 = vector.broadcast %mul3A_120 : i32 to vector<16xi32>
    %mul3A_122 = arith.muli %select_n3A_119, %mul3A_121 : vector<16xi32>
    %add3A_123 = arith.addi %mul3A_122, %select_n3A_93 : vector<16xi32>
    %mul3A_124 = arith.constant 40 : i32
    %mul3A_125 = vector.broadcast %mul3A_124 : i32 to vector<16xi32>
    %mul3A_126 = arith.muli %add3A_55, %mul3A_125 : vector<16xi32>
    %mul3A_127 = arith.constant 40 : i32
    %mul3A_128 = vector.broadcast %mul3A_127 : i32 to vector<16xi32>
    %mul3A_129 = arith.muli %add3A_61, %mul3A_128 : vector<16xi32>
    %convert_element_type3A_130 = arith.sitofp %mul3A_126 : vector<16xi32> to vector<16xf32>
    %add3A_131 = arith.constant 5.000000e-01 : f32
    %add3A_132 = vector.broadcast %add3A_131 : f32 to vector<16xf32>
    %add3A_133 = arith.addf %convert_element_type3A_130, %add3A_132 : vector<16xf32>
    %mul3A_134 = arith.constant 2.500000e-02 : f32
    %mul3A_135 = vector.broadcast %mul3A_134 : f32 to vector<16xf32>
    %mul3A_136 = arith.mulf %add3A_133, %mul3A_135 : vector<16xf32>
    %convert_element_type3A_137 = arith.fptosi %mul3A_136 : vector<16xf32> to vector<16xi32>
    %convert_element_type3A_138 = arith.sitofp %mul3A_126 : vector<16xi32> to vector<16xf32>
    %add3A_139 = arith.constant 5.000000e-01 : f32
    %add3A_140 = vector.broadcast %add3A_139 : f32 to vector<16xf32>
    %add3A_141 = arith.addf %convert_element_type3A_138, %add3A_140 : vector<16xf32>
    %mul3A_142 = arith.constant 1.250000e-02 : f32
    %mul3A_143 = vector.broadcast %mul3A_142 : f32 to vector<16xf32>
    %mul3A_144 = arith.mulf %add3A_141, %mul3A_143 : vector<16xf32>
    %convert_element_type3A_145 = arith.fptosi %mul3A_144 : vector<16xf32> to vector<16xi32>
    %convert_element_type3A_146 = arith.sitofp %mul3A_126 : vector<16xi32> to vector<16xf32>
    %add3A_147 = arith.constant 5.000000e-01 : f32
    %add3A_148 = vector.broadcast %add3A_147 : f32 to vector<16xf32>
    %add3A_149 = arith.addf %convert_element_type3A_146, %add3A_148 : vector<16xf32>
    %mul3A_150 = arith.constant 6.250000e-03 : f32
    %mul3A_151 = vector.broadcast %mul3A_150 : f32 to vector<16xf32>
    %mul3A_152 = arith.mulf %add3A_149, %mul3A_151 : vector<16xf32>
    %convert_element_type3A_153 = arith.fptosi %mul3A_152 : vector<16xf32> to vector<16xi32>
    %select_n3A_154 = arith.select %ge3A_6, %convert_element_type3A_145, %convert_element_type3A_153 : vector<16xi1>, vector<16xi32>
    %select_n3A_155 = arith.select %ge3A_9, %convert_element_type3A_137, %select_n3A_154 : vector<16xi1>, vector<16xi32>
    %convert_element_type3A_156 = arith.sitofp %mul3A_129 : vector<16xi32> to vector<16xf32>
    %add3A_157 = arith.constant 5.000000e-01 : f32
    %add3A_158 = vector.broadcast %add3A_157 : f32 to vector<16xf32>
    %add3A_159 = arith.addf %convert_element_type3A_156, %add3A_158 : vector<16xf32>
    %mul3A_160 = arith.constant 2.500000e-02 : f32
    %mul3A_161 = vector.broadcast %mul3A_160 : f32 to vector<16xf32>
    %mul3A_162 = arith.mulf %add3A_159, %mul3A_161 : vector<16xf32>
    %convert_element_type3A_163 = arith.fptosi %mul3A_162 : vector<16xf32> to vector<16xi32>
    %convert_element_type3A_164 = arith.sitofp %mul3A_129 : vector<16xi32> to vector<16xf32>
    %add3A_165 = arith.constant 5.000000e-01 : f32
    %add3A_166 = vector.broadcast %add3A_165 : f32 to vector<16xf32>
    %add3A_167 = arith.addf %convert_element_type3A_164, %add3A_166 : vector<16xf32>
    %mul3A_168 = arith.constant 1.250000e-02 : f32
    %mul3A_169 = vector.broadcast %mul3A_168 : f32 to vector<16xf32>
    %mul3A_170 = arith.mulf %add3A_167, %mul3A_169 : vector<16xf32>
    %convert_element_type3A_171 = arith.fptosi %mul3A_170 : vector<16xf32> to vector<16xi32>
    %convert_element_type3A_172 = arith.sitofp %mul3A_129 : vector<16xi32> to vector<16xf32>
    %add3A_173 = arith.constant 5.000000e-01 : f32
    %add3A_174 = vector.broadcast %add3A_173 : f32 to vector<16xf32>
    %add3A_175 = arith.addf %convert_element_type3A_172, %add3A_174 : vector<16xf32>
    %mul3A_176 = arith.constant 6.250000e-03 : f32
    %mul3A_177 = vector.broadcast %mul3A_176 : f32 to vector<16xf32>
    %mul3A_178 = arith.mulf %add3A_175, %mul3A_177 : vector<16xf32>
    %convert_element_type3A_179 = arith.fptosi %mul3A_178 : vector<16xf32> to vector<16xi32>
    %select_n3A_180 = arith.select %ge3A_6, %convert_element_type3A_171, %convert_element_type3A_179 : vector<16xi1>, vector<16xi32>
    %select_n3A_181 = arith.select %ge3A_9, %convert_element_type3A_163, %select_n3A_180 : vector<16xi1>, vector<16xi32>
    %mul3A_182 = arith.constant 40 : i32
    %mul3A_183 = vector.broadcast %mul3A_182 : i32 to vector<16xi32>
    %mul3A_184 = arith.muli %select_n3A_181, %mul3A_183 : vector<16xi32>
    %add3A_185 = arith.addi %mul3A_184, %select_n3A_155 : vector<16xi32>
    %mul3A_186 = arith.constant 20 : i32
    %mul3A_187 = vector.broadcast %mul3A_186 : i32 to vector<16xi32>
    %mul3A_188 = arith.muli %add3A_55, %mul3A_187 : vector<16xi32>
    %mul3A_189 = arith.constant 20 : i32
    %mul3A_190 = vector.broadcast %mul3A_189 : i32 to vector<16xi32>
    %mul3A_191 = arith.muli %add3A_61, %mul3A_190 : vector<16xi32>
    %convert_element_type3A_192 = arith.sitofp %mul3A_188 : vector<16xi32> to vector<16xf32>
    %add3A_193 = arith.constant 5.000000e-01 : f32
    %add3A_194 = vector.broadcast %add3A_193 : f32 to vector<16xf32>
    %add3A_195 = arith.addf %convert_element_type3A_192, %add3A_194 : vector<16xf32>
    %mul3A_196 = arith.constant 2.500000e-02 : f32
    %mul3A_197 = vector.broadcast %mul3A_196 : f32 to vector<16xf32>
    %mul3A_198 = arith.mulf %add3A_195, %mul3A_197 : vector<16xf32>
    %convert_element_type3A_199 = arith.fptosi %mul3A_198 : vector<16xf32> to vector<16xi32>
    %convert_element_type3A_200 = arith.sitofp %mul3A_188 : vector<16xi32> to vector<16xf32>
    %add3A_201 = arith.constant 5.000000e-01 : f32
    %add3A_202 = vector.broadcast %add3A_201 : f32 to vector<16xf32>
    %add3A_203 = arith.addf %convert_element_type3A_200, %add3A_202 : vector<16xf32>
    %mul3A_204 = arith.constant 1.250000e-02 : f32
    %mul3A_205 = vector.broadcast %mul3A_204 : f32 to vector<16xf32>
    %mul3A_206 = arith.mulf %add3A_203, %mul3A_205 : vector<16xf32>
    %convert_element_type3A_207 = arith.fptosi %mul3A_206 : vector<16xf32> to vector<16xi32>
    %convert_element_type3A_208 = arith.sitofp %mul3A_188 : vector<16xi32> to vector<16xf32>
    %add3A_209 = arith.constant 5.000000e-01 : f32
    %add3A_210 = vector.broadcast %add3A_209 : f32 to vector<16xf32>
    %add3A_211 = arith.addf %convert_element_type3A_208, %add3A_210 : vector<16xf32>
    %mul3A_212 = arith.constant 6.250000e-03 : f32
    %mul3A_213 = vector.broadcast %mul3A_212 : f32 to vector<16xf32>
    %mul3A_214 = arith.mulf %add3A_211, %mul3A_213 : vector<16xf32>
    %convert_element_type3A_215 = arith.fptosi %mul3A_214 : vector<16xf32> to vector<16xi32>
    %select_n3A_216 = arith.select %ge3A_6, %convert_element_type3A_207, %convert_element_type3A_215 : vector<16xi1>, vector<16xi32>
    %select_n3A_217 = arith.select %ge3A_9, %convert_element_type3A_199, %select_n3A_216 : vector<16xi1>, vector<16xi32>
    %convert_element_type3A_218 = arith.sitofp %mul3A_191 : vector<16xi32> to vector<16xf32>
    %add3A_219 = arith.constant 5.000000e-01 : f32
    %add3A_220 = vector.broadcast %add3A_219 : f32 to vector<16xf32>
    %add3A_221 = arith.addf %convert_element_type3A_218, %add3A_220 : vector<16xf32>
    %mul3A_222 = arith.constant 2.500000e-02 : f32
    %mul3A_223 = vector.broadcast %mul3A_222 : f32 to vector<16xf32>
    %mul3A_224 = arith.mulf %add3A_221, %mul3A_223 : vector<16xf32>
    %convert_element_type3A_225 = arith.fptosi %mul3A_224 : vector<16xf32> to vector<16xi32>
    %convert_element_type3A_226 = arith.sitofp %mul3A_191 : vector<16xi32> to vector<16xf32>
    %add3A_227 = arith.constant 5.000000e-01 : f32
    %add3A_228 = vector.broadcast %add3A_227 : f32 to vector<16xf32>
    %add3A_229 = arith.addf %convert_element_type3A_226, %add3A_228 : vector<16xf32>
    %mul3A_230 = arith.constant 1.250000e-02 : f32
    %mul3A_231 = vector.broadcast %mul3A_230 : f32 to vector<16xf32>
    %mul3A_232 = arith.mulf %add3A_229, %mul3A_231 : vector<16xf32>
    %convert_element_type3A_233 = arith.fptosi %mul3A_232 : vector<16xf32> to vector<16xi32>
    %convert_element_type3A_234 = arith.sitofp %mul3A_191 : vector<16xi32> to vector<16xf32>
    %add3A_235 = arith.constant 5.000000e-01 : f32
    %add3A_236 = vector.broadcast %add3A_235 : f32 to vector<16xf32>
    %add3A_237 = arith.addf %convert_element_type3A_234, %add3A_236 : vector<16xf32>
    %mul3A_238 = arith.constant 6.250000e-03 : f32
    %mul3A_239 = vector.broadcast %mul3A_238 : f32 to vector<16xf32>
    %mul3A_240 = arith.mulf %add3A_237, %mul3A_239 : vector<16xf32>
    %convert_element_type3A_241 = arith.fptosi %mul3A_240 : vector<16xf32> to vector<16xi32>
    %select_n3A_242 = arith.select %ge3A_6, %convert_element_type3A_233, %convert_element_type3A_241 : vector<16xi1>, vector<16xi32>
    %select_n3A_243 = arith.select %ge3A_9, %convert_element_type3A_225, %select_n3A_242 : vector<16xi1>, vector<16xi32>
    %mul3A_244 = arith.constant 20 : i32
    %mul3A_245 = vector.broadcast %mul3A_244 : i32 to vector<16xi32>
    %mul3A_246 = arith.muli %select_n3A_243, %mul3A_245 : vector<16xi32>
    %add3A_247 = arith.addi %mul3A_246, %select_n3A_217 : vector<16xi32>
    %swap3A = arith.constant 0 : index
    %swap3A_248 = tpu.vector_load %arg10[%swap3A] {strides = array<i32>} : memref<64xi32, #tpu.memory_space<vmem>>, vector<16xi32>,
    %swap3A_249 = vector.shape_cast %swap3A_248 : vector<16xi32> to vector<16xi32>
    %swap3A_250 = vector.shape_cast %add3A_123 : vector<16xi32> to vector<16xi32>
    tpu.vector_store %arg10[%swap3A], %swap3A_250 {strides = array<i32>} : memref<64xi32, #tpu.memory_space<vmem>>, vector<16xi32>,
    %swap3A_251 = arith.constant 0 : index
    %swap3A_252 = tpu.vector_load %arg11[%swap3A_251] {strides = array<i32>} : memref<64xi32, #tpu.memory_space<vmem>>, vector<16xi32>,
    %swap3A_253 = vector.shape_cast %swap3A_252 : vector<16xi32> to vector<16xi32>
    %swap3A_254 = vector.shape_cast %add3A_185 : vector<16xi32> to vector<16xi32>
    tpu.vector_store %arg11[%swap3A_251], %swap3A_254 {strides = array<i32>} : memref<64xi32, #tpu.memory_space<vmem>>, vector<16xi32>,
    %swap3A_255 = arith.constant 0 : index
    %swap3A_256 = tpu.vector_load %arg12[%swap3A_255] {strides = array<i32>} : memref<64xi32, #tpu.memory_space<vmem>>, vector<16xi32>,
    %swap3A_257 = vector.shape_cast %swap3A_256 : vector<16xi32> to vector<16xi32>
    %swap3A_258 = vector.shape_cast %add3A_247 : vector<16xi32> to vector<16xi32>
    tpu.vector_store %arg12[%swap3A_255], %swap3A_258 {strides = array<i32>} : memref<64xi32, #tpu.memory_space<vmem>>, vector<16xi32>,
    %get3A_259 = arith.constant 16 : index
    %get3A_260 = tpu.vector_load %arg9[%get3A_259] {strides = array<i32>} : memref<64xi32, #tpu.memory_space<vmem>>, vector<16xi32>,
    %get3A_261 = vector.shape_cast %get3A_260 : vector<16xi32> to vector<16xi32>
    %ge3A_262 = arith.constant 6400 : i32
    %ge3A_263 = vector.broadcast %ge3A_262 : i32 to vector<16xi32>
    %ge3A_264 = arith.cmpi sge, %get3A_261, %ge3A_263 : vector<16xi32>
    %ge3A_265 = arith.constant 8000 : i32
    %ge3A_266 = vector.broadcast %ge3A_265 : i32 to vector<16xi32>
    %ge3A_267 = arith.cmpi sge, %get3A_261, %ge3A_266 : vector<16xi32>
    %jit3A_268 = arith.constant 6400 : i32
    %jit3A_269 = arith.constant 0 : i32
    %broadcast_in_dim3A_270 = vector.broadcast %jit3A_268 : i32 to vector<16xi32>
    %broadcast_in_dim3A_271 = vector.broadcast %jit3A_269 : i32 to vector<16xi32>
    %select_n3A_272 = arith.select %ge3A_264, %broadcast_in_dim3A_270, %broadcast_in_dim3A_271 : vector<16xi1>, vector<16xi32>
    %jit3A_273 = arith.constant 8000 : i32
    %broadcast_in_dim3A_274 = vector.broadcast %jit3A_273 : i32 to vector<16xi32>
    %select_n3A_275 = arith.select %ge3A_267, %broadcast_in_dim3A_274, %select_n3A_272 : vector<16xi1>, vector<16xi32>
    %sub3A_276 = arith.subi %get3A_261, %select_n3A_275 : vector<16xi32>
    %convert_element_type3A_277 = arith.sitofp %sub3A_276 : vector<16xi32> to vector<16xf32>
    %add3A_278 = arith.constant 5.000000e-01 : f32
    %add3A_279 = vector.broadcast %add3A_278 : f32 to vector<16xf32>
    %add3A_280 = arith.addf %convert_element_type3A_277, %add3A_279 : vector<16xf32>
    %mul3A_281 = arith.constant 5.000000e-02 : f32
    %mul3A_282 = vector.broadcast %mul3A_281 : f32 to vector<16xf32>
    %mul3A_283 = arith.mulf %add3A_280, %mul3A_282 : vector<16xf32>
    %convert_element_type3A_284 = arith.fptosi %mul3A_283 : vector<16xf32> to vector<16xi32>
    %convert_element_type3A_285 = arith.sitofp %sub3A_276 : vector<16xi32> to vector<16xf32>
    %add3A_286 = arith.constant 5.000000e-01 : f32
    %add3A_287 = vector.broadcast %add3A_286 : f32 to vector<16xf32>
    %add3A_288 = arith.addf %convert_element_type3A_285, %add3A_287 : vector<16xf32>
    %mul3A_289 = arith.constant 2.500000e-02 : f32
    %mul3A_290 = vector.broadcast %mul3A_289 : f32 to vector<16xf32>
    %mul3A_291 = arith.mulf %add3A_288, %mul3A_290 : vector<16xf32>
    %convert_element_type3A_292 = arith.fptosi %mul3A_291 : vector<16xf32> to vector<16xi32>
    %convert_element_type3A_293 = arith.sitofp %sub3A_276 : vector<16xi32> to vector<16xf32>
    %add3A_294 = arith.constant 5.000000e-01 : f32
    %add3A_295 = vector.broadcast %add3A_294 : f32 to vector<16xf32>
    %add3A_296 = arith.addf %convert_element_type3A_293, %add3A_295 : vector<16xf32>
    %mul3A_297 = arith.constant 1.250000e-02 : f32
    %mul3A_298 = vector.broadcast %mul3A_297 : f32 to vector<16xf32>
    %mul3A_299 = arith.mulf %add3A_296, %mul3A_298 : vector<16xf32>
    %convert_element_type3A_300 = arith.fptosi %mul3A_299 : vector<16xf32> to vector<16xi32>
    %select_n3A_301 = arith.select %ge3A_264, %convert_element_type3A_292, %convert_element_type3A_300 : vector<16xi1>, vector<16xi32>
    %select_n3A_302 = arith.select %ge3A_267, %convert_element_type3A_284, %select_n3A_301 : vector<16xi1>, vector<16xi32>
    %jit3A_303 = arith.constant 40 : i32
    %jit3A_304 = arith.constant 80 : i32
    %broadcast_in_dim3A_305 = vector.broadcast %jit3A_303 : i32 to vector<16xi32>
    %broadcast_in_dim3A_306 = vector.broadcast %jit3A_304 : i32 to vector<16xi32>
    %select_n3A_307 = arith.select %ge3A_264, %broadcast_in_dim3A_305, %broadcast_in_dim3A_306 : vector<16xi1>, vector<16xi32>
    %jit3A_308 = arith.constant 20 : i32
    %broadcast_in_dim3A_309 = vector.broadcast %jit3A_308 : i32 to vector<16xi32>
    %select_n3A_310 = arith.select %ge3A_267, %broadcast_in_dim3A_309, %select_n3A_307 : vector<16xi1>, vector<16xi32>
    %mul3A_311 = arith.muli %select_n3A_302, %select_n3A_310 : vector<16xi32>
    %sub3A_312 = arith.subi %sub3A_276, %mul3A_311 : vector<16xi32>
    %mul3A_313 = arith.constant 2 : i32
    %mul3A_314 = vector.broadcast %mul3A_313 : i32 to vector<16xi32>
    %mul3A_315 = arith.muli %mul3A_314, %sub3A_312 : vector<16xi32>
    %add3A_316 = arith.constant 1 : i32
    %add3A_317 = vector.broadcast %add3A_316 : i32 to vector<16xi32>
    %add3A_318 = arith.addi %mul3A_315, %add3A_317 : vector<16xi32>
    %mul3A_319 = arith.constant 2 : i32
    %mul3A_320 = vector.broadcast %mul3A_319 : i32 to vector<16xi32>
    %mul3A_321 = arith.muli %mul3A_320, %select_n3A_302 : vector<16xi32>
    %add3A_322 = arith.constant 1 : i32
    %add3A_323 = vector.broadcast %add3A_322 : i32 to vector<16xi32>
    %add3A_324 = arith.addi %mul3A_321, %add3A_323 : vector<16xi32>
    %mul3A_325 = arith.constant 80 : i32
    %mul3A_326 = vector.broadcast %mul3A_325 : i32 to vector<16xi32>
    %mul3A_327 = arith.muli %add3A_318, %mul3A_326 : vector<16xi32>
    %mul3A_328 = arith.constant 80 : i32
    %mul3A_329 = vector.broadcast %mul3A_328 : i32 to vector<16xi32>
    %mul3A_330 = arith.muli %add3A_324, %mul3A_329 : vector<16xi32>
    %convert_element_type3A_331 = arith.sitofp %mul3A_327 : vector<16xi32> to vector<16xf32>
    %add3A_332 = arith.constant 5.000000e-01 : f32
    %add3A_333 = vector.broadcast %add3A_332 : f32 to vector<16xf32>
    %add3A_334 = arith.addf %convert_element_type3A_331, %add3A_333 : vector<16xf32>
    %mul3A_335 = arith.constant 2.500000e-02 : f32
    %mul3A_336 = vector.broadcast %mul3A_335 : f32 to vector<16xf32>
    %mul3A_337 = arith.mulf %add3A_334, %mul3A_336 : vector<16xf32>
    %convert_element_type3A_338 = arith.fptosi %mul3A_337 : vector<16xf32> to vector<16xi32>
    %convert_element_type3A_339 = arith.sitofp %mul3A_327 : vector<16xi32> to vector<16xf32>
    %add3A_340 = arith.constant 5.000000e-01 : f32
    %add3A_341 = vector.broadcast %add3A_340 : f32 to vector<16xf32>
    %add3A_342 = arith.addf %convert_element_type3A_339, %add3A_341 : vector<16xf32>
    %mul3A_343 = arith.constant 1.250000e-02 : f32
    %mul3A_344 = vector.broadcast %mul3A_343 : f32 to vector<16xf32>
    %mul3A_345 = arith.mulf %add3A_342, %mul3A_344 : vector<16xf32>
    %convert_element_type3A_346 = arith.fptosi %mul3A_345 : vector<16xf32> to vector<16xi32>
    %convert_element_type3A_347 = arith.sitofp %mul3A_327 : vector<16xi32> to vector<16xf32>
    %add3A_348 = arith.constant 5.000000e-01 : f32
    %add3A_349 = vector.broadcast %add3A_348 : f32 to vector<16xf32>
    %add3A_350 = arith.addf %convert_element_type3A_347, %add3A_349 : vector<16xf32>
    %mul3A_351 = arith.constant 6.250000e-03 : f32
    %mul3A_352 = vector.broadcast %mul3A_351 : f32 to vector<16xf32>
    %mul3A_353 = arith.mulf %add3A_350, %mul3A_352 : vector<16xf32>
    %convert_element_type3A_354 = arith.fptosi %mul3A_353 : vector<16xf32> to vector<16xi32>
    %select_n3A_355 = arith.select %ge3A_264, %convert_element_type3A_346, %convert_element_type3A_354 : vector<16xi1>, vector<16xi32>
    %select_n3A_356 = arith.select %ge3A_267, %convert_element_type3A_338, %select_n3A_355 : vector<16xi1>, vector<16xi32>
    %convert_element_type3A_357 = arith.sitofp %mul3A_330 : vector<16xi32> to vector<16xf32>
    %add3A_358 = arith.constant 5.000000e-01 : f32
    %add3A_359 = vector.broadcast %add3A_358 : f32 to vector<16xf32>
    %add3A_360 = arith.addf %convert_element_type3A_357, %add3A_359 : vector<16xf32>
    %mul3A_361 = arith.constant 2.500000e-02 : f32
    %mul3A_362 = vector.broadcast %mul3A_361 : f32 to vector<16xf32>
    %mul3A_363 = arith.mulf %add3A_360, %mul3A_362 : vector<16xf32>
    %convert_element_type3A_364 = arith.fptosi %mul3A_363 : vector<16xf32> to vector<16xi32>
    %convert_element_type3A_365 = arith.sitofp %mul3A_330 : vector<16xi32> to vector<16xf32>
    %add3A_366 = arith.constant 5.000000e-01 : f32
    %add3A_367 = vector.broadcast %add3A_366 : f32 to vector<16xf32>
    %add3A_368 = arith.addf %convert_element_type3A_365, %add3A_367 : vector<16xf32>
    %mul3A_369 = arith.constant 1.250000e-02 : f32
    %mul3A_370 = vector.broadcast %mul3A_369 : f32 to vector<16xf32>
    %mul3A_371 = arith.mulf %add3A_368, %mul3A_370 : vector<16xf32>
    %convert_element_type3A_372 = arith.fptosi %mul3A_371 : vector<16xf32> to vector<16xi32>
    %convert_element_type3A_373 = arith.sitofp %mul3A_330 : vector<16xi32> to vector<16xf32>
    %add3A_374 = arith.constant 5.000000e-01 : f32
    %add3A_375 = vector.broadcast %add3A_374 : f32 to vector<16xf32>
    %add3A_376 = arith.addf %convert_element_type3A_373, %add3A_375 : vector<16xf32>
    %mul3A_377 = arith.constant 6.250000e-03 : f32
    %mul3A_378 = vector.broadcast %mul3A_377 : f32 to vector<16xf32>
    %mul3A_379 = arith.mulf %add3A_376, %mul3A_378 : vector<16xf32>
    %convert_element_type3A_380 = arith.fptosi %mul3A_379 : vector<16xf32> to vector<16xi32>
    %select_n3A_381 = arith.select %ge3A_264, %convert_element_type3A_372, %convert_element_type3A_380 : vector<16xi1>, vector<16xi32>
    %select_n3A_382 = arith.select %ge3A_267, %convert_element_type3A_364, %select_n3A_381 : vector<16xi1>, vector<16xi32>
    %mul3A_383 = arith.constant 80 : i32
    %mul3A_384 = vector.broadcast %mul3A_383 : i32 to vector<16xi32>
    %mul3A_385 = arith.muli %select_n3A_382, %mul3A_384 : vector<16xi32>
    %add3A_386 = arith.addi %mul3A_385, %select_n3A_356 : vector<16xi32>
    %mul3A_387 = arith.constant 40 : i32
    %mul3A_388 = vector.broadcast %mul3A_387 : i32 to vector<16xi32>
    %mul3A_389 = arith.muli %add3A_318, %mul3A_388 : vector<16xi32>
    %mul3A_390 = arith.constant 40 : i32
    %mul3A_391 = vector.broadcast %mul3A_390 : i32 to vector<16xi32>
    %mul3A_392 = arith.muli %add3A_324, %mul3A_391 : vector<16xi32>
    %convert_element_type3A_393 = arith.sitofp %mul3A_389 : vector<16xi32> to vector<16xf32>
    %add3A_394 = arith.constant 5.000000e-01 : f32
    %add3A_395 = vector.broadcast %add3A_394 : f32 to vector<16xf32>
    %add3A_396 = arith.addf %convert_element_type3A_393, %add3A_395 : vector<16xf32>
    %mul3A_397 = arith.constant 2.500000e-02 : f32
    %mul3A_398 = vector.broadcast %mul3A_397 : f32 to vector<16xf32>
    %mul3A_399 = arith.mulf %add3A_396, %mul3A_398 : vector<16xf32>
    %convert_element_type3A_400 = arith.fptosi %mul3A_399 : vector<16xf32> to vector<16xi32>
    %convert_element_type3A_401 = arith.sitofp %mul3A_389 : vector<16xi32> to vector<16xf32>
    %add3A_402 = arith.constant 5.000000e-01 : f32
    %add3A_403 = vector.broadcast %add3A_402 : f32 to vector<16xf32>
    %add3A_404 = arith.addf %convert_element_type3A_401, %add3A_403 : vector<16xf32>
    %mul3A_405 = arith.constant 1.250000e-02 : f32
    %mul3A_406 = vector.broadcast %mul3A_405 : f32 to vector<16xf32>
    %mul3A_407 = arith.mulf %add3A_404, %mul3A_406 : vector<16xf32>
    %convert_element_type3A_408 = arith.fptosi %mul3A_407 : vector<16xf32> to vector<16xi32>
    %convert_element_type3A_409 = arith.sitofp %mul3A_389 : vector<16xi32> to vector<16xf32>
    %add3A_410 = arith.constant 5.000000e-01 : f32
    %add3A_411 = vector.broadcast %add3A_410 : f32 to vector<16xf32>
    %add3A_412 = arith.addf %convert_element_type3A_409, %add3A_411 : vector<16xf32>
    %mul3A_413 = arith.constant 6.250000e-03 : f32
    %mul3A_414 = vector.broadcast %mul3A_413 : f32 to vector<16xf32>
    %mul3A_415 = arith.mulf %add3A_412, %mul3A_414 : vector<16xf32>
    %convert_element_type3A_416 = arith.fptosi %mul3A_415 : vector<16xf32> to vector<16xi32>
    %select_n3A_417 = arith.select %ge3A_264, %convert_element_type3A_408, %convert_element_type3A_416 : vector<16xi1>, vector<16xi32>
    %select_n3A_418 = arith.select %ge3A_267, %convert_element_type3A_400, %select_n3A_417 : vector<16xi1>, vector<16xi32>
    %convert_element_type3A_419 = arith.sitofp %mul3A_392 : vector<16xi32> to vector<16xf32>
    %add3A_420 = arith.constant 5.000000e-01 : f32
    %add3A_421 = vector.broadcast %add3A_420 : f32 to vector<16xf32>
    %add3A_422 = arith.addf %convert_element_type3A_419, %add3A_421 : vector<16xf32>
    %mul3A_423 = arith.constant 2.500000e-02 : f32
    %mul3A_424 = vector.broadcast %mul3A_423 : f32 to vector<16xf32>
    %mul3A_425 = arith.mulf %add3A_422, %mul3A_424 : vector<16xf32>
    %convert_element_type3A_426 = arith.fptosi %mul3A_425 : vector<16xf32> to vector<16xi32>
    %convert_element_type3A_427 = arith.sitofp %mul3A_392 : vector<16xi32> to vector<16xf32>
    %add3A_428 = arith.constant 5.000000e-01 : f32
    %add3A_429 = vector.broadcast %add3A_428 : f32 to vector<16xf32>
    %add3A_430 = arith.addf %convert_element_type3A_427, %add3A_429 : vector<16xf32>
    %mul3A_431 = arith.constant 1.250000e-02 : f32
    %mul3A_432 = vector.broadcast %mul3A_431 : f32 to vector<16xf32>
    %mul3A_433 = arith.mulf %add3A_430, %mul3A_432 : vector<16xf32>
    %convert_element_type3A_434 = arith.fptosi %mul3A_433 : vector<16xf32> to vector<16xi32>
    %convert_element_type3A_435 = arith.sitofp %mul3A_392 : vector<16xi32> to vector<16xf32>
    %add3A_436 = arith.constant 5.000000e-01 : f32
    %add3A_437 = vector.broadcast %add3A_436 : f32 to vector<16xf32>
    %add3A_438 = arith.addf %convert_element_type3A_435, %add3A_437 : vector<16xf32>
    %mul3A_439 = arith.constant 6.250000e-03 : f32
    %mul3A_440 = vector.broadcast %mul3A_439 : f32 to vector<16xf32>
    %mul3A_441 = arith.mulf %add3A_438, %mul3A_440 : vector<16xf32>
    %convert_element_type3A_442 = arith.fptosi %mul3A_441 : vector<16xf32> to vector<16xi32>
    %select_n3A_443 = arith.select %ge3A_264, %convert_element_type3A_434, %convert_element_type3A_442 : vector<16xi1>, vector<16xi32>
    %select_n3A_444 = arith.select %ge3A_267, %convert_element_type3A_426, %select_n3A_443 : vector<16xi1>, vector<16xi32>
    %mul3A_445 = arith.constant 40 : i32
    %mul3A_446 = vector.broadcast %mul3A_445 : i32 to vector<16xi32>
    %mul3A_447 = arith.muli %select_n3A_444, %mul3A_446 : vector<16xi32>
    %add3A_448 = arith.addi %mul3A_447, %select_n3A_418 : vector<16xi32>
    %mul3A_449 = arith.constant 20 : i32
    %mul3A_450 = vector.broadcast %mul3A_449 : i32 to vector<16xi32>
    %mul3A_451 = arith.muli %add3A_318, %mul3A_450 : vector<16xi32>
    %mul3A_452 = arith.constant 20 : i32
    %mul3A_453 = vector.broadcast %mul3A_452 : i32 to vector<16xi32>
    %mul3A_454 = arith.muli %add3A_324, %mul3A_453 : vector<16xi32>
    %convert_element_type3A_455 = arith.sitofp %mul3A_451 : vector<16xi32> to vector<16xf32>
    %add3A_456 = arith.constant 5.000000e-01 : f32
    %add3A_457 = vector.broadcast %add3A_456 : f32 to vector<16xf32>
    %add3A_458 = arith.addf %convert_element_type3A_455, %add3A_457 : vector<16xf32>
    %mul3A_459 = arith.constant 2.500000e-02 : f32
    %mul3A_460 = vector.broadcast %mul3A_459 : f32 to vector<16xf32>
    %mul3A_461 = arith.mulf %add3A_458, %mul3A_460 : vector<16xf32>
    %convert_element_type3A_462 = arith.fptosi %mul3A_461 : vector<16xf32> to vector<16xi32>
    %convert_element_type3A_463 = arith.sitofp %mul3A_451 : vector<16xi32> to vector<16xf32>
    %add3A_464 = arith.constant 5.000000e-01 : f32
    %add3A_465 = vector.broadcast %add3A_464 : f32 to vector<16xf32>
    %add3A_466 = arith.addf %convert_element_type3A_463, %add3A_465 : vector<16xf32>
    %mul3A_467 = arith.constant 1.250000e-02 : f32
    %mul3A_468 = vector.broadcast %mul3A_467 : f32 to vector<16xf32>
    %mul3A_469 = arith.mulf %add3A_466, %mul3A_468 : vector<16xf32>
    %convert_element_type3A_470 = arith.fptosi %mul3A_469 : vector<16xf32> to vector<16xi32>
    %convert_element_type3A_471 = arith.sitofp %mul3A_451 : vector<16xi32> to vector<16xf32>
    %add3A_472 = arith.constant 5.000000e-01 : f32
    %add3A_473 = vector.broadcast %add3A_472 : f32 to vector<16xf32>
    %add3A_474 = arith.addf %convert_element_type3A_471, %add3A_473 : vector<16xf32>
    %mul3A_475 = arith.constant 6.250000e-03 : f32
    %mul3A_476 = vector.broadcast %mul3A_475 : f32 to vector<16xf32>
    %mul3A_477 = arith.mulf %add3A_474, %mul3A_476 : vector<16xf32>
    %convert_element_type3A_478 = arith.fptosi %mul3A_477 : vector<16xf32> to vector<16xi32>
    %select_n3A_479 = arith.select %ge3A_264, %convert_element_type3A_470, %convert_element_type3A_478 : vector<16xi1>, vector<16xi32>
    %select_n3A_480 = arith.select %ge3A_267, %convert_element_type3A_462, %select_n3A_479 : vector<16xi1>, vector<16xi32>
    %convert_element_type3A_481 = arith.sitofp %mul3A_454 : vector<16xi32> to vector<16xf32>
    %add3A_482 = arith.constant 5.000000e-01 : f32
    %add3A_483 = vector.broadcast %add3A_482 : f32 to vector<16xf32>
    %add3A_484 = arith.addf %convert_element_type3A_481, %add3A_483 : vector<16xf32>
    %mul3A_485 = arith.constant 2.500000e-02 : f32
    %mul3A_486 = vector.broadcast %mul3A_485 : f32 to vector<16xf32>
    %mul3A_487 = arith.mulf %add3A_484, %mul3A_486 : vector<16xf32>
    %convert_element_type3A_488 = arith.fptosi %mul3A_487 : vector<16xf32> to vector<16xi32>
    %convert_element_type3A_489 = arith.sitofp %mul3A_454 : vector<16xi32> to vector<16xf32>
    %add3A_490 = arith.constant 5.000000e-01 : f32
    %add3A_491 = vector.broadcast %add3A_490 : f32 to vector<16xf32>
    %add3A_492 = arith.addf %convert_element_type3A_489, %add3A_491 : vector<16xf32>
    %mul3A_493 = arith.constant 1.250000e-02 : f32
    %mul3A_494 = vector.broadcast %mul3A_493 : f32 to vector<16xf32>
    %mul3A_495 = arith.mulf %add3A_492, %mul3A_494 : vector<16xf32>
    %convert_element_type3A_496 = arith.fptosi %mul3A_495 : vector<16xf32> to vector<16xi32>
    %convert_element_type3A_497 = arith.sitofp %mul3A_454 : vector<16xi32> to vector<16xf32>
    %add3A_498 = arith.constant 5.000000e-01 : f32
    %add3A_499 = vector.broadcast %add3A_498 : f32 to vector<16xf32>
    %add3A_500 = arith.addf %convert_element_type3A_497, %add3A_499 : vector<16xf32>
    %mul3A_501 = arith.constant 6.250000e-03 : f32
    %mul3A_502 = vector.broadcast %mul3A_501 : f32 to vector<16xf32>
    %mul3A_503 = arith.mulf %add3A_500, %mul3A_502 : vector<16xf32>
    %convert_element_type3A_504 = arith.fptosi %mul3A_503 : vector<16xf32> to vector<16xi32>
    %select_n3A_505 = arith.select %ge3A_264, %convert_element_type3A_496, %convert_element_type3A_504 : vector<16xi1>, vector<16xi32>
    %select_n3A_506 = arith.select %ge3A_267, %convert_element_type3A_488, %select_n3A_505 : vector<16xi1>, vector<16xi32>
    %mul3A_507 = arith.constant 20 : i32
    %mul3A_508 = vector.broadcast %mul3A_507 : i32 to vector<16xi32>
    %mul3A_509 = arith.muli %select_n3A_506, %mul3A_508 : vector<16xi32>
    %add3A_510 = arith.addi %mul3A_509, %select_n3A_480 : vector<16xi32>
    %swap3A_511 = arith.constant 16 : index
    %swap3A_512 = tpu.vector_load %arg10[%swap3A_511] {strides = array<i32>} : memref<64xi32, #tpu.memory_space<vmem>>, vector<16xi32>,
    %swap3A_513 = vector.shape_cast %swap3A_512 : vector<16xi32> to vector<16xi32>
    %swap3A_514 = vector.shape_cast %add3A_386 : vector<16xi32> to vector<16xi32>
    tpu.vector_store %arg10[%swap3A_511], %swap3A_514 {strides = array<i32>} : memref<64xi32, #tpu.memory_space<vmem>>, vector<16xi32>,
    %swap3A_515 = arith.constant 16 : index
    %swap3A_516 = tpu.vector_load %arg11[%swap3A_515] {strides = array<i32>} : memref<64xi32, #tpu.memory_space<vmem>>, vector<16xi32>,
    %swap3A_517 = vector.shape_cast %swap3A_516 : vector<16xi32> to vector<16xi32>
    %swap3A_518 = vector.shape_cast %add3A_448 : vector<16xi32> to vector<16xi32>
    tpu.vector_store %arg11[%swap3A_515], %swap3A_518 {strides = array<i32>} : memref<64xi32, #tpu.memory_space<vmem>>, vector<16xi32>,
    %swap3A_519 = arith.constant 16 : index
    %swap3A_520 = tpu.vector_load %arg12[%swap3A_519] {strides = array<i32>} : memref<64xi32, #tpu.memory_space<vmem>>, vector<16xi32>,
    %swap3A_521 = vector.shape_cast %swap3A_520 : vector<16xi32> to vector<16xi32>
    %swap3A_522 = vector.shape_cast %add3A_510 : vector<16xi32> to vector<16xi32>
    tpu.vector_store %arg12[%swap3A_519], %swap3A_522 {strides = array<i32>} : memref<64xi32, #tpu.memory_space<vmem>>, vector<16xi32>,
    %get3A_523 = arith.constant 32 : index
    %get3A_524 = tpu.vector_load %arg9[%get3A_523] {strides = array<i32>} : memref<64xi32, #tpu.memory_space<vmem>>, vector<16xi32>,
    %get3A_525 = vector.shape_cast %get3A_524 : vector<16xi32> to vector<16xi32>
    %ge3A_526 = arith.constant 6400 : i32
    %ge3A_527 = vector.broadcast %ge3A_526 : i32 to vector<16xi32>
    %ge3A_528 = arith.cmpi sge, %get3A_525, %ge3A_527 : vector<16xi32>
    %ge3A_529 = arith.constant 8000 : i32
    %ge3A_530 = vector.broadcast %ge3A_529 : i32 to vector<16xi32>
    %ge3A_531 = arith.cmpi sge, %get3A_525, %ge3A_530 : vector<16xi32>
    %jit3A_532 = arith.constant 6400 : i32
    %jit3A_533 = arith.constant 0 : i32
    %broadcast_in_dim3A_534 = vector.broadcast %jit3A_532 : i32 to vector<16xi32>
    %broadcast_in_dim3A_535 = vector.broadcast %jit3A_533 : i32 to vector<16xi32>
    %select_n3A_536 = arith.select %ge3A_528, %broadcast_in_dim3A_534, %broadcast_in_dim3A_535 : vector<16xi1>, vector<16xi32>
    %jit3A_537 = arith.constant 8000 : i32
    %broadcast_in_dim3A_538 = vector.broadcast %jit3A_537 : i32 to vector<16xi32>
    %select_n3A_539 = arith.select %ge3A_531, %broadcast_in_dim3A_538, %select_n3A_536 : vector<16xi1>, vector<16xi32>
    %sub3A_540 = arith.subi %get3A_525, %select_n3A_539 : vector<16xi32>
    %convert_element_type3A_541 = arith.sitofp %sub3A_540 : vector<16xi32> to vector<16xf32>
    %add3A_542 = arith.constant 5.000000e-01 : f32
    %add3A_543 = vector.broadcast %add3A_542 : f32 to vector<16xf32>
    %add3A_544 = arith.addf %convert_element_type3A_541, %add3A_543 : vector<16xf32>
    %mul3A_545 = arith.constant 5.000000e-02 : f32
    %mul3A_546 = vector.broadcast %mul3A_545 : f32 to vector<16xf32>
    %mul3A_547 = arith.mulf %add3A_544, %mul3A_546 : vector<16xf32>
    %convert_element_type3A_548 = arith.fptosi %mul3A_547 : vector<16xf32> to vector<16xi32>
    %convert_element_type3A_549 = arith.sitofp %sub3A_540 : vector<16xi32> to vector<16xf32>
    %add3A_550 = arith.constant 5.000000e-01 : f32
    %add3A_551 = vector.broadcast %add3A_550 : f32 to vector<16xf32>
    %add3A_552 = arith.addf %convert_element_type3A_549, %add3A_551 : vector<16xf32>
    %mul3A_553 = arith.constant 2.500000e-02 : f32
    %mul3A_554 = vector.broadcast %mul3A_553 : f32 to vector<16xf32>
    %mul3A_555 = arith.mulf %add3A_552, %mul3A_554 : vector<16xf32>
    %convert_element_type3A_556 = arith.fptosi %mul3A_555 : vector<16xf32> to vector<16xi32>
    %convert_element_type3A_557 = arith.sitofp %sub3A_540 : vector<16xi32> to vector<16xf32>
    %add3A_558 = arith.constant 5.000000e-01 : f32
    %add3A_559 = vector.broadcast %add3A_558 : f32 to vector<16xf32>
    %add3A_560 = arith.addf %convert_element_type3A_557, %add3A_559 : vector<16xf32>
    %mul3A_561 = arith.constant 1.250000e-02 : f32
    %mul3A_562 = vector.broadcast %mul3A_561 : f32 to vector<16xf32>
    %mul3A_563 = arith.mulf %add3A_560, %mul3A_562 : vector<16xf32>
    %convert_element_type3A_564 = arith.fptosi %mul3A_563 : vector<16xf32> to vector<16xi32>
    %select_n3A_565 = arith.select %ge3A_528, %convert_element_type3A_556, %convert_element_type3A_564 : vector<16xi1>, vector<16xi32>
    %select_n3A_566 = arith.select %ge3A_531, %convert_element_type3A_548, %select_n3A_565 : vector<16xi1>, vector<16xi32>
    %jit3A_567 = arith.constant 40 : i32
    %jit3A_568 = arith.constant 80 : i32
    %broadcast_in_dim3A_569 = vector.broadcast %jit3A_567 : i32 to vector<16xi32>
    %broadcast_in_dim3A_570 = vector.broadcast %jit3A_568 : i32 to vector<16xi32>
    %select_n3A_571 = arith.select %ge3A_528, %broadcast_in_dim3A_569, %broadcast_in_dim3A_570 : vector<16xi1>, vector<16xi32>
    %jit3A_572 = arith.constant 20 : i32
    %broadcast_in_dim3A_573 = vector.broadcast %jit3A_572 : i32 to vector<16xi32>
    %select_n3A_574 = arith.select %ge3A_531, %broadcast_in_dim3A_573, %select_n3A_571 : vector<16xi1>, vector<16xi32>
    %mul3A_575 = arith.muli %select_n3A_566, %select_n3A_574 : vector<16xi32>
    %sub3A_576 = arith.subi %sub3A_540, %mul3A_575 : vector<16xi32>
    %mul3A_577 = arith.constant 2 : i32
    %mul3A_578 = vector.broadcast %mul3A_577 : i32 to vector<16xi32>
    %mul3A_579 = arith.muli %mul3A_578, %sub3A_576 : vector<16xi32>
    %add3A_580 = arith.constant 1 : i32
    %add3A_581 = vector.broadcast %add3A_580 : i32 to vector<16xi32>
    %add3A_582 = arith.addi %mul3A_579, %add3A_581 : vector<16xi32>
    %mul3A_583 = arith.constant 2 : i32
    %mul3A_584 = vector.broadcast %mul3A_583 : i32 to vector<16xi32>
    %mul3A_585 = arith.muli %mul3A_584, %select_n3A_566 : vector<16xi32>
    %add3A_586 = arith.constant 1 : i32
    %add3A_587 = vector.broadcast %add3A_586 : i32 to vector<16xi32>
    %add3A_588 = arith.addi %mul3A_585, %add3A_587 : vector<16xi32>
    %mul3A_589 = arith.constant 80 : i32
    %mul3A_590 = vector.broadcast %mul3A_589 : i32 to vector<16xi32>
    %mul3A_591 = arith.muli %add3A_582, %mul3A_590 : vector<16xi32>
    %mul3A_592 = arith.constant 80 : i32
    %mul3A_593 = vector.broadcast %mul3A_592 : i32 to vector<16xi32>
    %mul3A_594 = arith.muli %add3A_588, %mul3A_593 : vector<16xi32>
    %convert_element_type3A_595 = arith.sitofp %mul3A_591 : vector<16xi32> to vector<16xf32>
    %add3A_596 = arith.constant 5.000000e-01 : f32
    %add3A_597 = vector.broadcast %add3A_596 : f32 to vector<16xf32>
    %add3A_598 = arith.addf %convert_element_type3A_595, %add3A_597 : vector<16xf32>
    %mul3A_599 = arith.constant 2.500000e-02 : f32
    %mul3A_600 = vector.broadcast %mul3A_599 : f32 to vector<16xf32>
    %mul3A_601 = arith.mulf %add3A_598, %mul3A_600 : vector<16xf32>
    %convert_element_type3A_602 = arith.fptosi %mul3A_601 : vector<16xf32> to vector<16xi32>
    %convert_element_type3A_603 = arith.sitofp %mul3A_591 : vector<16xi32> to vector<16xf32>
    %add3A_604 = arith.constant 5.000000e-01 : f32
    %add3A_605 = vector.broadcast %add3A_604 : f32 to vector<16xf32>
    %add3A_606 = arith.addf %convert_element_type3A_603, %add3A_605 : vector<16xf32>
    %mul3A_607 = arith.constant 1.250000e-02 : f32
    %mul3A_608 = vector.broadcast %mul3A_607 : f32 to vector<16xf32>
    %mul3A_609 = arith.mulf %add3A_606, %mul3A_608 : vector<16xf32>
    %convert_element_type3A_610 = arith.fptosi %mul3A_609 : vector<16xf32> to vector<16xi32>
    %convert_element_type3A_611 = arith.sitofp %mul3A_591 : vector<16xi32> to vector<16xf32>
    %add3A_612 = arith.constant 5.000000e-01 : f32
    %add3A_613 = vector.broadcast %add3A_612 : f32 to vector<16xf32>
    %add3A_614 = arith.addf %convert_element_type3A_611, %add3A_613 : vector<16xf32>
    %mul3A_615 = arith.constant 6.250000e-03 : f32
    %mul3A_616 = vector.broadcast %mul3A_615 : f32 to vector<16xf32>
    %mul3A_617 = arith.mulf %add3A_614, %mul3A_616 : vector<16xf32>
    %convert_element_type3A_618 = arith.fptosi %mul3A_617 : vector<16xf32> to vector<16xi32>
    %select_n3A_619 = arith.select %ge3A_528, %convert_element_type3A_610, %convert_element_type3A_618 : vector<16xi1>, vector<16xi32>
    %select_n3A_620 = arith.select %ge3A_531, %convert_element_type3A_602, %select_n3A_619 : vector<16xi1>, vector<16xi32>
    %convert_element_type3A_621 = arith.sitofp %mul3A_594 : vector<16xi32> to vector<16xf32>
    %add3A_622 = arith.constant 5.000000e-01 : f32
    %add3A_623 = vector.broadcast %add3A_622 : f32 to vector<16xf32>
    %add3A_624 = arith.addf %convert_element_type3A_621, %add3A_623 : vector<16xf32>
    %mul3A_625 = arith.constant 2.500000e-02 : f32
    %mul3A_626 = vector.broadcast %mul3A_625 : f32 to vector<16xf32>
    %mul3A_627 = arith.mulf %add3A_624, %mul3A_626 : vector<16xf32>
    %convert_element_type3A_628 = arith.fptosi %mul3A_627 : vector<16xf32> to vector<16xi32>
    %convert_element_type3A_629 = arith.sitofp %mul3A_594 : vector<16xi32> to vector<16xf32>
    %add3A_630 = arith.constant 5.000000e-01 : f32
    %add3A_631 = vector.broadcast %add3A_630 : f32 to vector<16xf32>
    %add3A_632 = arith.addf %convert_element_type3A_629, %add3A_631 : vector<16xf32>
    %mul3A_633 = arith.constant 1.250000e-02 : f32
    %mul3A_634 = vector.broadcast %mul3A_633 : f32 to vector<16xf32>
    %mul3A_635 = arith.mulf %add3A_632, %mul3A_634 : vector<16xf32>
    %convert_element_type3A_636 = arith.fptosi %mul3A_635 : vector<16xf32> to vector<16xi32>
    %convert_element_type3A_637 = arith.sitofp %mul3A_594 : vector<16xi32> to vector<16xf32>
    %add3A_638 = arith.constant 5.000000e-01 : f32
    %add3A_639 = vector.broadcast %add3A_638 : f32 to vector<16xf32>
    %add3A_640 = arith.addf %convert_element_type3A_637, %add3A_639 : vector<16xf32>
    %mul3A_641 = arith.constant 6.250000e-03 : f32
    %mul3A_642 = vector.broadcast %mul3A_641 : f32 to vector<16xf32>
    %mul3A_643 = arith.mulf %add3A_640, %mul3A_642 : vector<16xf32>
    %convert_element_type3A_644 = arith.fptosi %mul3A_643 : vector<16xf32> to vector<16xi32>
    %select_n3A_645 = arith.select %ge3A_528, %convert_element_type3A_636, %convert_element_type3A_644 : vector<16xi1>, vector<16xi32>
    %select_n3A_646 = arith.select %ge3A_531, %convert_element_type3A_628, %select_n3A_645 : vector<16xi1>, vector<16xi32>
    %mul3A_647 = arith.constant 80 : i32
    %mul3A_648 = vector.broadcast %mul3A_647 : i32 to vector<16xi32>
    %mul3A_649 = arith.muli %select_n3A_646, %mul3A_648 : vector<16xi32>
    %add3A_650 = arith.addi %mul3A_649, %select_n3A_620 : vector<16xi32>
    %mul3A_651 = arith.constant 40 : i32
    %mul3A_652 = vector.broadcast %mul3A_651 : i32 to vector<16xi32>
    %mul3A_653 = arith.muli %add3A_582, %mul3A_652 : vector<16xi32>
    %mul3A_654 = arith.constant 40 : i32
    %mul3A_655 = vector.broadcast %mul3A_654 : i32 to vector<16xi32>
    %mul3A_656 = arith.muli %add3A_588, %mul3A_655 : vector<16xi32>
    %convert_element_type3A_657 = arith.sitofp %mul3A_653 : vector<16xi32> to vector<16xf32>
    %add3A_658 = arith.constant 5.000000e-01 : f32
    %add3A_659 = vector.broadcast %add3A_658 : f32 to vector<16xf32>
    %add3A_660 = arith.addf %convert_element_type3A_657, %add3A_659 : vector<16xf32>
    %mul3A_661 = arith.constant 2.500000e-02 : f32
    %mul3A_662 = vector.broadcast %mul3A_661 : f32 to vector<16xf32>
    %mul3A_663 = arith.mulf %add3A_660, %mul3A_662 : vector<16xf32>
    %convert_element_type3A_664 = arith.fptosi %mul3A_663 : vector<16xf32> to vector<16xi32>
    %convert_element_type3A_665 = arith.sitofp %mul3A_653 : vector<16xi32> to vector<16xf32>
    %add3A_666 = arith.constant 5.000000e-01 : f32
    %add3A_667 = vector.broadcast %add3A_666 : f32 to vector<16xf32>
    %add3A_668 = arith.addf %convert_element_type3A_665, %add3A_667 : vector<16xf32>
    %mul3A_669 = arith.constant 1.250000e-02 : f32
    %mul3A_670 = vector.broadcast %mul3A_669 : f32 to vector<16xf32>
    %mul3A_671 = arith.mulf %add3A_668, %mul3A_670 : vector<16xf32>
    %convert_element_type3A_672 = arith.fptosi %mul3A_671 : vector<16xf32> to vector<16xi32>
    %convert_element_type3A_673 = arith.sitofp %mul3A_653 : vector<16xi32> to vector<16xf32>
    %add3A_674 = arith.constant 5.000000e-01 : f32
    %add3A_675 = vector.broadcast %add3A_674 : f32 to vector<16xf32>
    %add3A_676 = arith.addf %convert_element_type3A_673, %add3A_675 : vector<16xf32>
    %mul3A_677 = arith.constant 6.250000e-03 : f32
    %mul3A_678 = vector.broadcast %mul3A_677 : f32 to vector<16xf32>
    %mul3A_679 = arith.mulf %add3A_676, %mul3A_678 : vector<16xf32>
    %convert_element_type3A_680 = arith.fptosi %mul3A_679 : vector<16xf32> to vector<16xi32>
    %select_n3A_681 = arith.select %ge3A_528, %convert_element_type3A_672, %convert_element_type3A_680 : vector<16xi1>, vector<16xi32>
    %select_n3A_682 = arith.select %ge3A_531, %convert_element_type3A_664, %select_n3A_681 : vector<16xi1>, vector<16xi32>
    %convert_element_type3A_683 = arith.sitofp %mul3A_656 : vector<16xi32> to vector<16xf32>
    %add3A_684 = arith.constant 5.000000e-01 : f32
    %add3A_685 = vector.broadcast %add3A_684 : f32 to vector<16xf32>
    %add3A_686 = arith.addf %convert_element_type3A_683, %add3A_685 : vector<16xf32>
    %mul3A_687 = arith.constant 2.500000e-02 : f32
    %mul3A_688 = vector.broadcast %mul3A_687 : f32 to vector<16xf32>
    %mul3A_689 = arith.mulf %add3A_686, %mul3A_688 : vector<16xf32>
    %convert_element_type3A_690 = arith.fptosi %mul3A_689 : vector<16xf32> to vector<16xi32>
    %convert_element_type3A_691 = arith.sitofp %mul3A_656 : vector<16xi32> to vector<16xf32>
    %add3A_692 = arith.constant 5.000000e-01 : f32
    %add3A_693 = vector.broadcast %add3A_692 : f32 to vector<16xf32>
    %add3A_694 = arith.addf %convert_element_type3A_691, %add3A_693 : vector<16xf32>
    %mul3A_695 = arith.constant 1.250000e-02 : f32
    %mul3A_696 = vector.broadcast %mul3A_695 : f32 to vector<16xf32>
    %mul3A_697 = arith.mulf %add3A_694, %mul3A_696 : vector<16xf32>
    %convert_element_type3A_698 = arith.fptosi %mul3A_697 : vector<16xf32> to vector<16xi32>
    %convert_element_type3A_699 = arith.sitofp %mul3A_656 : vector<16xi32> to vector<16xf32>
    %add3A_700 = arith.constant 5.000000e-01 : f32
    %add3A_701 = vector.broadcast %add3A_700 : f32 to vector<16xf32>
    %add3A_702 = arith.addf %convert_element_type3A_699, %add3A_701 : vector<16xf32>
    %mul3A_703 = arith.constant 6.250000e-03 : f32
    %mul3A_704 = vector.broadcast %mul3A_703 : f32 to vector<16xf32>
    %mul3A_705 = arith.mulf %add3A_702, %mul3A_704 : vector<16xf32>
    %convert_element_type3A_706 = arith.fptosi %mul3A_705 : vector<16xf32> to vector<16xi32>
    %select_n3A_707 = arith.select %ge3A_528, %convert_element_type3A_698, %convert_element_type3A_706 : vector<16xi1>, vector<16xi32>
    %select_n3A_708 = arith.select %ge3A_531, %convert_element_type3A_690, %select_n3A_707 : vector<16xi1>, vector<16xi32>
    %mul3A_709 = arith.constant 40 : i32
    %mul3A_710 = vector.broadcast %mul3A_709 : i32 to vector<16xi32>
    %mul3A_711 = arith.muli %select_n3A_708, %mul3A_710 : vector<16xi32>
    %add3A_712 = arith.addi %mul3A_711, %select_n3A_682 : vector<16xi32>
    %mul3A_713 = arith.constant 20 : i32
    %mul3A_714 = vector.broadcast %mul3A_713 : i32 to vector<16xi32>
    %mul3A_715 = arith.muli %add3A_582, %mul3A_714 : vector<16xi32>
    %mul3A_716 = arith.constant 20 : i32
    %mul3A_717 = vector.broadcast %mul3A_716 : i32 to vector<16xi32>
    %mul3A_718 = arith.muli %add3A_588, %mul3A_717 : vector<16xi32>
    %convert_element_type3A_719 = arith.sitofp %mul3A_715 : vector<16xi32> to vector<16xf32>
    %add3A_720 = arith.constant 5.000000e-01 : f32
    %add3A_721 = vector.broadcast %add3A_720 : f32 to vector<16xf32>
    %add3A_722 = arith.addf %convert_element_type3A_719, %add3A_721 : vector<16xf32>
    %mul3A_723 = arith.constant 2.500000e-02 : f32
    %mul3A_724 = vector.broadcast %mul3A_723 : f32 to vector<16xf32>
    %mul3A_725 = arith.mulf %add3A_722, %mul3A_724 : vector<16xf32>
    %convert_element_type3A_726 = arith.fptosi %mul3A_725 : vector<16xf32> to vector<16xi32>
    %convert_element_type3A_727 = arith.sitofp %mul3A_715 : vector<16xi32> to vector<16xf32>
    %add3A_728 = arith.constant 5.000000e-01 : f32
    %add3A_729 = vector.broadcast %add3A_728 : f32 to vector<16xf32>
    %add3A_730 = arith.addf %convert_element_type3A_727, %add3A_729 : vector<16xf32>
    %mul3A_731 = arith.constant 1.250000e-02 : f32
    %mul3A_732 = vector.broadcast %mul3A_731 : f32 to vector<16xf32>
    %mul3A_733 = arith.mulf %add3A_730, %mul3A_732 : vector<16xf32>
    %convert_element_type3A_734 = arith.fptosi %mul3A_733 : vector<16xf32> to vector<16xi32>
    %convert_element_type3A_735 = arith.sitofp %mul3A_715 : vector<16xi32> to vector<16xf32>
    %add3A_736 = arith.constant 5.000000e-01 : f32
    %add3A_737 = vector.broadcast %add3A_736 : f32 to vector<16xf32>
    %add3A_738 = arith.addf %convert_element_type3A_735, %add3A_737 : vector<16xf32>
    %mul3A_739 = arith.constant 6.250000e-03 : f32
    %mul3A_740 = vector.broadcast %mul3A_739 : f32 to vector<16xf32>
    %mul3A_741 = arith.mulf %add3A_738, %mul3A_740 : vector<16xf32>
    %convert_element_type3A_742 = arith.fptosi %mul3A_741 : vector<16xf32> to vector<16xi32>
    %select_n3A_743 = arith.select %ge3A_528, %convert_element_type3A_734, %convert_element_type3A_742 : vector<16xi1>, vector<16xi32>
    %select_n3A_744 = arith.select %ge3A_531, %convert_element_type3A_726, %select_n3A_743 : vector<16xi1>, vector<16xi32>
    %convert_element_type3A_745 = arith.sitofp %mul3A_718 : vector<16xi32> to vector<16xf32>
    %add3A_746 = arith.constant 5.000000e-01 : f32
    %add3A_747 = vector.broadcast %add3A_746 : f32 to vector<16xf32>
    %add3A_748 = arith.addf %convert_element_type3A_745, %add3A_747 : vector<16xf32>
    %mul3A_749 = arith.constant 2.500000e-02 : f32
    %mul3A_750 = vector.broadcast %mul3A_749 : f32 to vector<16xf32>
    %mul3A_751 = arith.mulf %add3A_748, %mul3A_750 : vector<16xf32>
    %convert_element_type3A_752 = arith.fptosi %mul3A_751 : vector<16xf32> to vector<16xi32>
    %convert_element_type3A_753 = arith.sitofp %mul3A_718 : vector<16xi32> to vector<16xf32>
    %add3A_754 = arith.constant 5.000000e-01 : f32
    %add3A_755 = vector.broadcast %add3A_754 : f32 to vector<16xf32>
    %add3A_756 = arith.addf %convert_element_type3A_753, %add3A_755 : vector<16xf32>
    %mul3A_757 = arith.constant 1.250000e-02 : f32
    %mul3A_758 = vector.broadcast %mul3A_757 : f32 to vector<16xf32>
    %mul3A_759 = arith.mulf %add3A_756, %mul3A_758 : vector<16xf32>
    %convert_element_type3A_760 = arith.fptosi %mul3A_759 : vector<16xf32> to vector<16xi32>
    %convert_element_type3A_761 = arith.sitofp %mul3A_718 : vector<16xi32> to vector<16xf32>
    %add3A_762 = arith.constant 5.000000e-01 : f32
    %add3A_763 = vector.broadcast %add3A_762 : f32 to vector<16xf32>
    %add3A_764 = arith.addf %convert_element_type3A_761, %add3A_763 : vector<16xf32>
    %mul3A_765 = arith.constant 6.250000e-03 : f32
    %mul3A_766 = vector.broadcast %mul3A_765 : f32 to vector<16xf32>
    %mul3A_767 = arith.mulf %add3A_764, %mul3A_766 : vector<16xf32>
    %convert_element_type3A_768 = arith.fptosi %mul3A_767 : vector<16xf32> to vector<16xi32>
    %select_n3A_769 = arith.select %ge3A_528, %convert_element_type3A_760, %convert_element_type3A_768 : vector<16xi1>, vector<16xi32>
    %select_n3A_770 = arith.select %ge3A_531, %convert_element_type3A_752, %select_n3A_769 : vector<16xi1>, vector<16xi32>
    %mul3A_771 = arith.constant 20 : i32
    %mul3A_772 = vector.broadcast %mul3A_771 : i32 to vector<16xi32>
    %mul3A_773 = arith.muli %select_n3A_770, %mul3A_772 : vector<16xi32>
    %add3A_774 = arith.addi %mul3A_773, %select_n3A_744 : vector<16xi32>
    %swap3A_775 = arith.constant 32 : index
    %swap3A_776 = tpu.vector_load %arg10[%swap3A_775] {strides = array<i32>} : memref<64xi32, #tpu.memory_space<vmem>>, vector<16xi32>,
    %swap3A_777 = vector.shape_cast %swap3A_776 : vector<16xi32> to vector<16xi32>
    %swap3A_778 = vector.shape_cast %add3A_650 : vector<16xi32> to vector<16xi32>
    tpu.vector_store %arg10[%swap3A_775], %swap3A_778 {strides = array<i32>} : memref<64xi32, #tpu.memory_space<vmem>>, vector<16xi32>,
    %swap3A_779 = arith.constant 32 : index
    %swap3A_780 = tpu.vector_load %arg11[%swap3A_779] {strides = array<i32>} : memref<64xi32, #tpu.memory_space<vmem>>, vector<16xi32>,
    %swap3A_781 = vector.shape_cast %swap3A_780 : vector<16xi32> to vector<16xi32>
    %swap3A_782 = vector.shape_cast %add3A_712 : vector<16xi32> to vector<16xi32>
    tpu.vector_store %arg11[%swap3A_779], %swap3A_782 {strides = array<i32>} : memref<64xi32, #tpu.memory_space<vmem>>, vector<16xi32>,
    %swap3A_783 = arith.constant 32 : index
    %swap3A_784 = tpu.vector_load %arg12[%swap3A_783] {strides = array<i32>} : memref<64xi32, #tpu.memory_space<vmem>>, vector<16xi32>,
    %swap3A_785 = vector.shape_cast %swap3A_784 : vector<16xi32> to vector<16xi32>
    %swap3A_786 = vector.shape_cast %add3A_774 : vector<16xi32> to vector<16xi32>
    tpu.vector_store %arg12[%swap3A_783], %swap3A_786 {strides = array<i32>} : memref<64xi32, #tpu.memory_space<vmem>>, vector<16xi32>,
    %get3A_787 = arith.constant 48 : index
    %get3A_788 = tpu.vector_load %arg9[%get3A_787] {strides = array<i32>} : memref<64xi32, #tpu.memory_space<vmem>>, vector<16xi32>,
    %get3A_789 = vector.shape_cast %get3A_788 : vector<16xi32> to vector<16xi32>
    %ge3A_790 = arith.constant 6400 : i32
    %ge3A_791 = vector.broadcast %ge3A_790 : i32 to vector<16xi32>
    %ge3A_792 = arith.cmpi sge, %get3A_789, %ge3A_791 : vector<16xi32>
    %ge3A_793 = arith.constant 8000 : i32
    %ge3A_794 = vector.broadcast %ge3A_793 : i32 to vector<16xi32>
    %ge3A_795 = arith.cmpi sge, %get3A_789, %ge3A_794 : vector<16xi32>
    %jit3A_796 = arith.constant 6400 : i32
    %jit3A_797 = arith.constant 0 : i32
    %broadcast_in_dim3A_798 = vector.broadcast %jit3A_796 : i32 to vector<16xi32>
    %broadcast_in_dim3A_799 = vector.broadcast %jit3A_797 : i32 to vector<16xi32>
    %select_n3A_800 = arith.select %ge3A_792, %broadcast_in_dim3A_798, %broadcast_in_dim3A_799 : vector<16xi1>, vector<16xi32>
    %jit3A_801 = arith.constant 8000 : i32
    %broadcast_in_dim3A_802 = vector.broadcast %jit3A_801 : i32 to vector<16xi32>
    %select_n3A_803 = arith.select %ge3A_795, %broadcast_in_dim3A_802, %select_n3A_800 : vector<16xi1>, vector<16xi32>
    %sub3A_804 = arith.subi %get3A_789, %select_n3A_803 : vector<16xi32>
    %convert_element_type3A_805 = arith.sitofp %sub3A_804 : vector<16xi32> to vector<16xf32>
    %add3A_806 = arith.constant 5.000000e-01 : f32
    %add3A_807 = vector.broadcast %add3A_806 : f32 to vector<16xf32>
    %add3A_808 = arith.addf %convert_element_type3A_805, %add3A_807 : vector<16xf32>
    %mul3A_809 = arith.constant 5.000000e-02 : f32
    %mul3A_810 = vector.broadcast %mul3A_809 : f32 to vector<16xf32>
    %mul3A_811 = arith.mulf %add3A_808, %mul3A_810 : vector<16xf32>
    %convert_element_type3A_812 = arith.fptosi %mul3A_811 : vector<16xf32> to vector<16xi32>
    %convert_element_type3A_813 = arith.sitofp %sub3A_804 : vector<16xi32> to vector<16xf32>
    %add3A_814 = arith.constant 5.000000e-01 : f32
    %add3A_815 = vector.broadcast %add3A_814 : f32 to vector<16xf32>
    %add3A_816 = arith.addf %convert_element_type3A_813, %add3A_815 : vector<16xf32>
    %mul3A_817 = arith.constant 2.500000e-02 : f32
    %mul3A_818 = vector.broadcast %mul3A_817 : f32 to vector<16xf32>
    %mul3A_819 = arith.mulf %add3A_816, %mul3A_818 : vector<16xf32>
    %convert_element_type3A_820 = arith.fptosi %mul3A_819 : vector<16xf32> to vector<16xi32>
    %convert_element_type3A_821 = arith.sitofp %sub3A_804 : vector<16xi32> to vector<16xf32>
    %add3A_822 = arith.constant 5.000000e-01 : f32
    %add3A_823 = vector.broadcast %add3A_822 : f32 to vector<16xf32>
    %add3A_824 = arith.addf %convert_element_type3A_821, %add3A_823 : vector<16xf32>
    %mul3A_825 = arith.constant 1.250000e-02 : f32
    %mul3A_826 = vector.broadcast %mul3A_825 : f32 to vector<16xf32>
    %mul3A_827 = arith.mulf %add3A_824, %mul3A_826 : vector<16xf32>
    %convert_element_type3A_828 = arith.fptosi %mul3A_827 : vector<16xf32> to vector<16xi32>
    %select_n3A_829 = arith.select %ge3A_792, %convert_element_type3A_820, %convert_element_type3A_828 : vector<16xi1>, vector<16xi32>
    %select_n3A_830 = arith.select %ge3A_795, %convert_element_type3A_812, %select_n3A_829 : vector<16xi1>, vector<16xi32>
    %jit3A_831 = arith.constant 40 : i32
    %jit3A_832 = arith.constant 80 : i32
    %broadcast_in_dim3A_833 = vector.broadcast %jit3A_831 : i32 to vector<16xi32>
    %broadcast_in_dim3A_834 = vector.broadcast %jit3A_832 : i32 to vector<16xi32>
    %select_n3A_835 = arith.select %ge3A_792, %broadcast_in_dim3A_833, %broadcast_in_dim3A_834 : vector<16xi1>, vector<16xi32>
    %jit3A_836 = arith.constant 20 : i32
    %broadcast_in_dim3A_837 = vector.broadcast %jit3A_836 : i32 to vector<16xi32>
    %select_n3A_838 = arith.select %ge3A_795, %broadcast_in_dim3A_837, %select_n3A_835 : vector<16xi1>, vector<16xi32>
    %mul3A_839 = arith.muli %select_n3A_830, %select_n3A_838 : vector<16xi32>
    %sub3A_840 = arith.subi %sub3A_804, %mul3A_839 : vector<16xi32>
    %mul3A_841 = arith.constant 2 : i32
    %mul3A_842 = vector.broadcast %mul3A_841 : i32 to vector<16xi32>
    %mul3A_843 = arith.muli %mul3A_842, %sub3A_840 : vector<16xi32>
    %add3A_844 = arith.constant 1 : i32
    %add3A_845 = vector.broadcast %add3A_844 : i32 to vector<16xi32>
    %add3A_846 = arith.addi %mul3A_843, %add3A_845 : vector<16xi32>
    %mul3A_847 = arith.constant 2 : i32
    %mul3A_848 = vector.broadcast %mul3A_847 : i32 to vector<16xi32>
    %mul3A_849 = arith.muli %mul3A_848, %select_n3A_830 : vector<16xi32>
    %add3A_850 = arith.constant 1 : i32
    %add3A_851 = vector.broadcast %add3A_850 : i32 to vector<16xi32>
    %add3A_852 = arith.addi %mul3A_849, %add3A_851 : vector<16xi32>
    %mul3A_853 = arith.constant 80 : i32
    %mul3A_854 = vector.broadcast %mul3A_853 : i32 to vector<16xi32>
    %mul3A_855 = arith.muli %add3A_846, %mul3A_854 : vector<16xi32>
    %mul3A_856 = arith.constant 80 : i32
    %mul3A_857 = vector.broadcast %mul3A_856 : i32 to vector<16xi32>
    %mul3A_858 = arith.muli %add3A_852, %mul3A_857 : vector<16xi32>
    %convert_element_type3A_859 = arith.sitofp %mul3A_855 : vector<16xi32> to vector<16xf32>
    %add3A_860 = arith.constant 5.000000e-01 : f32
    %add3A_861 = vector.broadcast %add3A_860 : f32 to vector<16xf32>
    %add3A_862 = arith.addf %convert_element_type3A_859, %add3A_861 : vector<16xf32>
    %mul3A_863 = arith.constant 2.500000e-02 : f32
    %mul3A_864 = vector.broadcast %mul3A_863 : f32 to vector<16xf32>
    %mul3A_865 = arith.mulf %add3A_862, %mul3A_864 : vector<16xf32>
    %convert_element_type3A_866 = arith.fptosi %mul3A_865 : vector<16xf32> to vector<16xi32>
    %convert_element_type3A_867 = arith.sitofp %mul3A_855 : vector<16xi32> to vector<16xf32>
    %add3A_868 = arith.constant 5.000000e-01 : f32
    %add3A_869 = vector.broadcast %add3A_868 : f32 to vector<16xf32>
    %add3A_870 = arith.addf %convert_element_type3A_867, %add3A_869 : vector<16xf32>
    %mul3A_871 = arith.constant 1.250000e-02 : f32
    %mul3A_872 = vector.broadcast %mul3A_871 : f32 to vector<16xf32>
    %mul3A_873 = arith.mulf %add3A_870, %mul3A_872 : vector<16xf32>
    %convert_element_type3A_874 = arith.fptosi %mul3A_873 : vector<16xf32> to vector<16xi32>
    %convert_element_type3A_875 = arith.sitofp %mul3A_855 : vector<16xi32> to vector<16xf32>
    %add3A_876 = arith.constant 5.000000e-01 : f32
    %add3A_877 = vector.broadcast %add3A_876 : f32 to vector<16xf32>
    %add3A_878 = arith.addf %convert_element_type3A_875, %add3A_877 : vector<16xf32>
    %mul3A_879 = arith.constant 6.250000e-03 : f32
    %mul3A_880 = vector.broadcast %mul3A_879 : f32 to vector<16xf32>
    %mul3A_881 = arith.mulf %add3A_878, %mul3A_880 : vector<16xf32>
    %convert_element_type3A_882 = arith.fptosi %mul3A_881 : vector<16xf32> to vector<16xi32>
    %select_n3A_883 = arith.select %ge3A_792, %convert_element_type3A_874, %convert_element_type3A_882 : vector<16xi1>, vector<16xi32>
    %select_n3A_884 = arith.select %ge3A_795, %convert_element_type3A_866, %select_n3A_883 : vector<16xi1>, vector<16xi32>
    %convert_element_type3A_885 = arith.sitofp %mul3A_858 : vector<16xi32> to vector<16xf32>
    %add3A_886 = arith.constant 5.000000e-01 : f32
    %add3A_887 = vector.broadcast %add3A_886 : f32 to vector<16xf32>
    %add3A_888 = arith.addf %convert_element_type3A_885, %add3A_887 : vector<16xf32>
    %mul3A_889 = arith.constant 2.500000e-02 : f32
    %mul3A_890 = vector.broadcast %mul3A_889 : f32 to vector<16xf32>
    %mul3A_891 = arith.mulf %add3A_888, %mul3A_890 : vector<16xf32>
    %convert_element_type3A_892 = arith.fptosi %mul3A_891 : vector<16xf32> to vector<16xi32>
    %convert_element_type3A_893 = arith.sitofp %mul3A_858 : vector<16xi32> to vector<16xf32>
    %add3A_894 = arith.constant 5.000000e-01 : f32
    %add3A_895 = vector.broadcast %add3A_894 : f32 to vector<16xf32>
    %add3A_896 = arith.addf %convert_element_type3A_893, %add3A_895 : vector<16xf32>
    %mul3A_897 = arith.constant 1.250000e-02 : f32
    %mul3A_898 = vector.broadcast %mul3A_897 : f32 to vector<16xf32>
    %mul3A_899 = arith.mulf %add3A_896, %mul3A_898 : vector<16xf32>
    %convert_element_type3A_900 = arith.fptosi %mul3A_899 : vector<16xf32> to vector<16xi32>
    %convert_element_type3A_901 = arith.sitofp %mul3A_858 : vector<16xi32> to vector<16xf32>
    %add3A_902 = arith.constant 5.000000e-01 : f32
    %add3A_903 = vector.broadcast %add3A_902 : f32 to vector<16xf32>
    %add3A_904 = arith.addf %convert_element_type3A_901, %add3A_903 : vector<16xf32>
    %mul3A_905 = arith.constant 6.250000e-03 : f32
    %mul3A_906 = vector.broadcast %mul3A_905 : f32 to vector<16xf32>
    %mul3A_907 = arith.mulf %add3A_904, %mul3A_906 : vector<16xf32>
    %convert_element_type3A_908 = arith.fptosi %mul3A_907 : vector<16xf32> to vector<16xi32>
    %select_n3A_909 = arith.select %ge3A_792, %convert_element_type3A_900, %convert_element_type3A_908 : vector<16xi1>, vector<16xi32>
    %select_n3A_910 = arith.select %ge3A_795, %convert_element_type3A_892, %select_n3A_909 : vector<16xi1>, vector<16xi32>
    %mul3A_911 = arith.constant 80 : i32
    %mul3A_912 = vector.broadcast %mul3A_911 : i32 to vector<16xi32>
    %mul3A_913 = arith.muli %select_n3A_910, %mul3A_912 : vector<16xi32>
    %add3A_914 = arith.addi %mul3A_913, %select_n3A_884 : vector<16xi32>
    %mul3A_915 = arith.constant 40 : i32
    %mul3A_916 = vector.broadcast %mul3A_915 : i32 to vector<16xi32>
    %mul3A_917 = arith.muli %add3A_846, %mul3A_916 : vector<16xi32>
    %mul3A_918 = arith.constant 40 : i32
    %mul3A_919 = vector.broadcast %mul3A_918 : i32 to vector<16xi32>
    %mul3A_920 = arith.muli %add3A_852, %mul3A_919 : vector<16xi32>
    %convert_element_type3A_921 = arith.sitofp %mul3A_917 : vector<16xi32> to vector<16xf32>
    %add3A_922 = arith.constant 5.000000e-01 : f32
    %add3A_923 = vector.broadcast %add3A_922 : f32 to vector<16xf32>
    %add3A_924 = arith.addf %convert_element_type3A_921, %add3A_923 : vector<16xf32>
    %mul3A_925 = arith.constant 2.500000e-02 : f32
    %mul3A_926 = vector.broadcast %mul3A_925 : f32 to vector<16xf32>
    %mul3A_927 = arith.mulf %add3A_924, %mul3A_926 : vector<16xf32>
    %convert_element_type3A_928 = arith.fptosi %mul3A_927 : vector<16xf32> to vector<16xi32>
    %convert_element_type3A_929 = arith.sitofp %mul3A_917 : vector<16xi32> to vector<16xf32>
    %add3A_930 = arith.constant 5.000000e-01 : f32
    %add3A_931 = vector.broadcast %add3A_930 : f32 to vector<16xf32>
    %add3A_932 = arith.addf %convert_element_type3A_929, %add3A_931 : vector<16xf32>
    %mul3A_933 = arith.constant 1.250000e-02 : f32
    %mul3A_934 = vector.broadcast %mul3A_933 : f32 to vector<16xf32>
    %mul3A_935 = arith.mulf %add3A_932, %mul3A_934 : vector<16xf32>
    %convert_element_type3A_936 = arith.fptosi %mul3A_935 : vector<16xf32> to vector<16xi32>
    %convert_element_type3A_937 = arith.sitofp %mul3A_917 : vector<16xi32> to vector<16xf32>
    %add3A_938 = arith.constant 5.000000e-01 : f32
    %add3A_939 = vector.broadcast %add3A_938 : f32 to vector<16xf32>
    %add3A_940 = arith.addf %convert_element_type3A_937, %add3A_939 : vector<16xf32>
    %mul3A_941 = arith.constant 6.250000e-03 : f32
    %mul3A_942 = vector.broadcast %mul3A_941 : f32 to vector<16xf32>
    %mul3A_943 = arith.mulf %add3A_940, %mul3A_942 : vector<16xf32>
    %convert_element_type3A_944 = arith.fptosi %mul3A_943 : vector<16xf32> to vector<16xi32>
    %select_n3A_945 = arith.select %ge3A_792, %convert_element_type3A_936, %convert_element_type3A_944 : vector<16xi1>, vector<16xi32>
    %select_n3A_946 = arith.select %ge3A_795, %convert_element_type3A_928, %select_n3A_945 : vector<16xi1>, vector<16xi32>
    %convert_element_type3A_947 = arith.sitofp %mul3A_920 : vector<16xi32> to vector<16xf32>
    %add3A_948 = arith.constant 5.000000e-01 : f32
    %add3A_949 = vector.broadcast %add3A_948 : f32 to vector<16xf32>
    %add3A_950 = arith.addf %convert_element_type3A_947, %add3A_949 : vector<16xf32>
    %mul3A_951 = arith.constant 2.500000e-02 : f32
    %mul3A_952 = vector.broadcast %mul3A_951 : f32 to vector<16xf32>
    %mul3A_953 = arith.mulf %add3A_950, %mul3A_952 : vector<16xf32>
    %convert_element_type3A_954 = arith.fptosi %mul3A_953 : vector<16xf32> to vector<16xi32>
    %convert_element_type3A_955 = arith.sitofp %mul3A_920 : vector<16xi32> to vector<16xf32>
    %add3A_956 = arith.constant 5.000000e-01 : f32
    %add3A_957 = vector.broadcast %add3A_956 : f32 to vector<16xf32>
    %add3A_958 = arith.addf %convert_element_type3A_955, %add3A_957 : vector<16xf32>
    %mul3A_959 = arith.constant 1.250000e-02 : f32
    %mul3A_960 = vector.broadcast %mul3A_959 : f32 to vector<16xf32>
    %mul3A_961 = arith.mulf %add3A_958, %mul3A_960 : vector<16xf32>
    %convert_element_type3A_962 = arith.fptosi %mul3A_961 : vector<16xf32> to vector<16xi32>
    %convert_element_type3A_963 = arith.sitofp %mul3A_920 : vector<16xi32> to vector<16xf32>
    %add3A_964 = arith.constant 5.000000e-01 : f32
    %add3A_965 = vector.broadcast %add3A_964 : f32 to vector<16xf32>
    %add3A_966 = arith.addf %convert_element_type3A_963, %add3A_965 : vector<16xf32>
    %mul3A_967 = arith.constant 6.250000e-03 : f32
    %mul3A_968 = vector.broadcast %mul3A_967 : f32 to vector<16xf32>
    %mul3A_969 = arith.mulf %add3A_966, %mul3A_968 : vector<16xf32>
    %convert_element_type3A_970 = arith.fptosi %mul3A_969 : vector<16xf32> to vector<16xi32>
    %select_n3A_971 = arith.select %ge3A_792, %convert_element_type3A_962, %convert_element_type3A_970 : vector<16xi1>, vector<16xi32>
    %select_n3A_972 = arith.select %ge3A_795, %convert_element_type3A_954, %select_n3A_971 : vector<16xi1>, vector<16xi32>
    %mul3A_973 = arith.constant 40 : i32
    %mul3A_974 = vector.broadcast %mul3A_973 : i32 to vector<16xi32>
    %mul3A_975 = arith.muli %select_n3A_972, %mul3A_974 : vector<16xi32>
    %add3A_976 = arith.addi %mul3A_975, %select_n3A_946 : vector<16xi32>
    %mul3A_977 = arith.constant 20 : i32
    %mul3A_978 = vector.broadcast %mul3A_977 : i32 to vector<16xi32>
    %mul3A_979 = arith.muli %add3A_846, %mul3A_978 : vector<16xi32>
    %mul3A_980 = arith.constant 20 : i32
    %mul3A_981 = vector.broadcast %mul3A_980 : i32 to vector<16xi32>
    %mul3A_982 = arith.muli %add3A_852, %mul3A_981 : vector<16xi32>
    %convert_element_type3A_983 = arith.sitofp %mul3A_979 : vector<16xi32> to vector<16xf32>
    %add3A_984 = arith.constant 5.000000e-01 : f32
    %add3A_985 = vector.broadcast %add3A_984 : f32 to vector<16xf32>
    %add3A_986 = arith.addf %convert_element_type3A_983, %add3A_985 : vector<16xf32>
    %mul3A_987 = arith.constant 2.500000e-02 : f32
    %mul3A_988 = vector.broadcast %mul3A_987 : f32 to vector<16xf32>
    %mul3A_989 = arith.mulf %add3A_986, %mul3A_988 : vector<16xf32>
    %convert_element_type3A_990 = arith.fptosi %mul3A_989 : vector<16xf32> to vector<16xi32>
    %convert_element_type3A_991 = arith.sitofp %mul3A_979 : vector<16xi32> to vector<16xf32>
    %add3A_992 = arith.constant 5.000000e-01 : f32
    %add3A_993 = vector.broadcast %add3A_992 : f32 to vector<16xf32>
    %add3A_994 = arith.addf %convert_element_type3A_991, %add3A_993 : vector<16xf32>
    %mul3A_995 = arith.constant 1.250000e-02 : f32
    %mul3A_996 = vector.broadcast %mul3A_995 : f32 to vector<16xf32>
    %mul3A_997 = arith.mulf %add3A_994, %mul3A_996 : vector<16xf32>
    %convert_element_type3A_998 = arith.fptosi %mul3A_997 : vector<16xf32> to vector<16xi32>
    %convert_element_type3A_999 = arith.sitofp %mul3A_979 : vector<16xi32> to vector<16xf32>
    %add3A_1000 = arith.constant 5.000000e-01 : f32
    %add3A_1001 = vector.broadcast %add3A_1000 : f32 to vector<16xf32>
    %add3A_1002 = arith.addf %convert_element_type3A_999, %add3A_1001 : vector<16xf32>
    %mul3A_1003 = arith.constant 6.250000e-03 : f32
    %mul3A_1004 = vector.broadcast %mul3A_1003 : f32 to vector<16xf32>
    %mul3A_1005 = arith.mulf %add3A_1002, %mul3A_1004 : vector<16xf32>
    %convert_element_type3A_1006 = arith.fptosi %mul3A_1005 : vector<16xf32> to vector<16xi32>
    %select_n3A_1007 = arith.select %ge3A_792, %convert_element_type3A_998, %convert_element_type3A_1006 : vector<16xi1>, vector<16xi32>
    %select_n3A_1008 = arith.select %ge3A_795, %convert_element_type3A_990, %select_n3A_1007 : vector<16xi1>, vector<16xi32>
    %convert_element_type3A_1009 = arith.sitofp %mul3A_982 : vector<16xi32> to vector<16xf32>
    %add3A_1010 = arith.constant 5.000000e-01 : f32
    %add3A_1011 = vector.broadcast %add3A_1010 : f32 to vector<16xf32>
    %add3A_1012 = arith.addf %convert_element_type3A_1009, %add3A_1011 : vector<16xf32>
    %mul3A_1013 = arith.constant 2.500000e-02 : f32
    %mul3A_1014 = vector.broadcast %mul3A_1013 : f32 to vector<16xf32>
    %mul3A_1015 = arith.mulf %add3A_1012, %mul3A_1014 : vector<16xf32>
    %convert_element_type3A_1016 = arith.fptosi %mul3A_1015 : vector<16xf32> to vector<16xi32>
    %convert_element_type3A_1017 = arith.sitofp %mul3A_982 : vector<16xi32> to vector<16xf32>
    %add3A_1018 = arith.constant 5.000000e-01 : f32
    %add3A_1019 = vector.broadcast %add3A_1018 : f32 to vector<16xf32>
    %add3A_1020 = arith.addf %convert_element_type3A_1017, %add3A_1019 : vector<16xf32>
    %mul3A_1021 = arith.constant 1.250000e-02 : f32
    %mul3A_1022 = vector.broadcast %mul3A_1021 : f32 to vector<16xf32>
    %mul3A_1023 = arith.mulf %add3A_1020, %mul3A_1022 : vector<16xf32>
    %convert_element_type3A_1024 = arith.fptosi %mul3A_1023 : vector<16xf32> to vector<16xi32>
    %convert_element_type3A_1025 = arith.sitofp %mul3A_982 : vector<16xi32> to vector<16xf32>
    %add3A_1026 = arith.constant 5.000000e-01 : f32
    %add3A_1027 = vector.broadcast %add3A_1026 : f32 to vector<16xf32>
    %add3A_1028 = arith.addf %convert_element_type3A_1025, %add3A_1027 : vector<16xf32>
    %mul3A_1029 = arith.constant 6.250000e-03 : f32
    %mul3A_1030 = vector.broadcast %mul3A_1029 : f32 to vector<16xf32>
    %mul3A_1031 = arith.mulf %add3A_1028, %mul3A_1030 : vector<16xf32>
    %convert_element_type3A_1032 = arith.fptosi %mul3A_1031 : vector<16xf32> to vector<16xi32>
    %select_n3A_1033 = arith.select %ge3A_792, %convert_element_type3A_1024, %convert_element_type3A_1032 : vector<16xi1>, vector<16xi32>
    %select_n3A_1034 = arith.select %ge3A_795, %convert_element_type3A_1016, %select_n3A_1033 : vector<16xi1>, vector<16xi32>
    %mul3A_1035 = arith.constant 20 : i32
    %mul3A_1036 = vector.broadcast %mul3A_1035 : i32 to vector<16xi32>
    %mul3A_1037 = arith.muli %select_n3A_1034, %mul3A_1036 : vector<16xi32>
    %add3A_1038 = arith.addi %mul3A_1037, %select_n3A_1008 : vector<16xi32>
    %swap3A_1039 = arith.constant 48 : index
    %swap3A_1040 = tpu.vector_load %arg10[%swap3A_1039] {strides = array<i32>} : memref<64xi32, #tpu.memory_space<vmem>>, vector<16xi32>,
    %swap3A_1041 = vector.shape_cast %swap3A_1040 : vector<16xi32> to vector<16xi32>
    %swap3A_1042 = vector.shape_cast %add3A_914 : vector<16xi32> to vector<16xi32>
    tpu.vector_store %arg10[%swap3A_1039], %swap3A_1042 {strides = array<i32>} : memref<64xi32, #tpu.memory_space<vmem>>, vector<16xi32>,
    %swap3A_1043 = arith.constant 48 : index
    %swap3A_1044 = tpu.vector_load %arg11[%swap3A_1043] {strides = array<i32>} : memref<64xi32, #tpu.memory_space<vmem>>, vector<16xi32>,
    %swap3A_1045 = vector.shape_cast %swap3A_1044 : vector<16xi32> to vector<16xi32>
    %swap3A_1046 = vector.shape_cast %add3A_976 : vector<16xi32> to vector<16xi32>
    tpu.vector_store %arg11[%swap3A_1043], %swap3A_1046 {strides = array<i32>} : memref<64xi32, #tpu.memory_space<vmem>>, vector<16xi32>,
    %swap3A_1047 = arith.constant 48 : index
    %swap3A_1048 = tpu.vector_load %arg12[%swap3A_1047] {strides = array<i32>} : memref<64xi32, #tpu.memory_space<vmem>>, vector<16xi32>,
    %swap3A_1049 = vector.shape_cast %swap3A_1048 : vector<16xi32> to vector<16xi32>
    %swap3A_1050 = vector.shape_cast %add3A_1038 : vector<16xi32> to vector<16xi32>
    tpu.vector_store %arg12[%swap3A_1047], %swap3A_1050 {strides = array<i32>} : memref<64xi32, #tpu.memory_space<vmem>>, vector<16xi32>,
    %dma_start3A = arith.constant 0 : i32
    %dma_start3A_1051 = arith.constant 0 : i32
    %dma_start3A_1052 = tpu.memref_slice %arg2[%dma_start3A, %dma_start3A_1051] : memref<6400x128xi32, #tpu.memory_space<hbm>> -> memref<6400x128xi32, #tpu.memory_space<hbm>>
    tpu.enqueue_indirect_dma source(%dma_start3A_1052 : memref<6400x128xi32, #tpu.memory_space<hbm>>) target(%arg13 : memref<64x128xi32, #tpu.memory_space<vmem>>) offsets(%arg10 : memref<64xi32, #tpu.memory_space<vmem>>) semaphore(%arg16 : memref<!tpu.dma_semaphore, #tpu.memory_space<semaphore_mem>>)
    %dma_start3A_1053 = arith.constant 0 : i32
    %dma_start3A_1054 = arith.constant 0 : i32
    %dma_start3A_1055 = tpu.memref_slice %arg3[%dma_start3A_1053, %dma_start3A_1054] : memref<1600x256xi32, #tpu.memory_space<hbm>> -> memref<1600x256xi32, #tpu.memory_space<hbm>>
    tpu.enqueue_indirect_dma source(%dma_start3A_1055 : memref<1600x256xi32, #tpu.memory_space<hbm>>) target(%arg14 : memref<64x256xi32, #tpu.memory_space<vmem>>) offsets(%arg11 : memref<64xi32, #tpu.memory_space<vmem>>) semaphore(%arg16 : memref<!tpu.dma_semaphore, #tpu.memory_space<semaphore_mem>>)
    %dma_start3A_1056 = arith.constant 0 : i32
    %dma_start3A_1057 = arith.constant 0 : i32
    %dma_start3A_1058 = tpu.memref_slice %arg4[%dma_start3A_1056, %dma_start3A_1057] : memref<400x512xi32, #tpu.memory_space<hbm>> -> memref<400x512xi32, #tpu.memory_space<hbm>>
    tpu.enqueue_indirect_dma source(%dma_start3A_1058 : memref<400x512xi32, #tpu.memory_space<hbm>>) target(%arg15 : memref<64x512xi32, #tpu.memory_space<vmem>>) offsets(%arg12 : memref<64xi32, #tpu.memory_space<vmem>>) semaphore(%arg16 : memref<!tpu.dma_semaphore, #tpu.memory_space<semaphore_mem>>)
    %dma_wait3A = arith.constant 0 : i32
    %dma_wait3A_1059 = arith.constant 0 : i32
    %dma_wait3A_1060 = tpu.memref_slice %arg2[%dma_wait3A, %dma_wait3A_1059] : memref<6400x128xi32, #tpu.memory_space<hbm>> -> memref<6400x128xi32, #tpu.memory_space<hbm>>
    tpu.wait_indirect_dma semaphore(%arg16 : memref<!tpu.dma_semaphore, #tpu.memory_space<semaphore_mem>>) src(%dma_wait3A_1060 : memref<6400x128xi32, #tpu.memory_space<hbm>>) dst(%arg13 : memref<64x128xi32, #tpu.memory_space<vmem>>)
    %dma_wait3A_1061 = arith.constant 0 : i32
    %dma_wait3A_1062 = arith.constant 0 : i32
    %dma_wait3A_1063 = tpu.memref_slice %arg3[%dma_wait3A_1061, %dma_wait3A_1062] : memref<1600x256xi32, #tpu.memory_space<hbm>> -> memref<1600x256xi32, #tpu.memory_space<hbm>>
    tpu.wait_indirect_dma semaphore(%arg16 : memref<!tpu.dma_semaphore, #tpu.memory_space<semaphore_mem>>) src(%dma_wait3A_1063 : memref<1600x256xi32, #tpu.memory_space<hbm>>) dst(%arg14 : memref<64x256xi32, #tpu.memory_space<vmem>>)
    %dma_wait3A_1064 = arith.constant 0 : i32
    %dma_wait3A_1065 = arith.constant 0 : i32
    %dma_wait3A_1066 = tpu.memref_slice %arg4[%dma_wait3A_1064, %dma_wait3A_1065] : memref<400x512xi32, #tpu.memory_space<hbm>> -> memref<400x512xi32, #tpu.memory_space<hbm>>
    tpu.wait_indirect_dma semaphore(%arg16 : memref<!tpu.dma_semaphore, #tpu.memory_space<semaphore_mem>>) src(%dma_wait3A_1066 : memref<400x512xi32, #tpu.memory_space<hbm>>) dst(%arg15 : memref<64x512xi32, #tpu.memory_space<vmem>>)
    "tpu.region"() ({
      %run_scoped3A = tpu.sem_alloc : memref<!tpu.dma_semaphore, #tpu.memory_space<semaphore_mem>>
      %dma_start3A_1067 = arith.constant 0 : i32
      %dma_start3A_1068 = tpu.memref_slice %arg6[%mul3A_2, %dma_start3A_1067] : memref<2048x128xi32, #tpu.memory_space<hbm>> -> memref<64x128xi32, #tpu.memory_space<hbm>>
      %dma_start3A_1069 = arith.constant 0 : i32
      %dma_start3A_1070 = tpu.memref_slice %arg6[%mul3A_2, %dma_start3A_1069] : memref<2048x128xi32, #tpu.memory_space<hbm>> -> memref<64x128xi32, #tpu.memory_space<hbm>>
      tpu.enqueue_dma source(%arg13 : memref<64x128xi32, #tpu.memory_space<vmem>>) target(%dma_start3A_1070 : memref<64x128xi32, #tpu.memory_space<hbm>>) target_semaphore(%run_scoped3A : memref<!tpu.dma_semaphore, #tpu.memory_space<semaphore_mem>>)
      %dma_wait3A_1071 = arith.constant 0 : i32
      %dma_wait3A_1072 = tpu.memref_slice %arg6[%mul3A_2, %dma_wait3A_1071] : memref<2048x128xi32, #tpu.memory_space<hbm>> -> memref<64x128xi32, #tpu.memory_space<hbm>>
      %dma_wait3A_1073 = arith.constant 0 : i32
      %dma_wait3A_1074 = tpu.memref_slice %arg6[%mul3A_2, %dma_wait3A_1073] : memref<2048x128xi32, #tpu.memory_space<hbm>> -> memref<64x128xi32, #tpu.memory_space<hbm>>
      tpu.wait_dma2 semaphore(%run_scoped3A : memref<!tpu.dma_semaphore, #tpu.memory_space<semaphore_mem>>) src(%arg13 : memref<64x128xi32, #tpu.memory_space<vmem>>) dst(%dma_wait3A_1074 : memref<64x128xi32, #tpu.memory_space<hbm>>)
      tpu.yield
    }) : () -> ()
    "tpu.region"() ({
      %run_scoped3A = tpu.sem_alloc : memref<!tpu.dma_semaphore, #tpu.memory_space<semaphore_mem>>
      %dma_start3A_1067 = arith.constant 0 : i32
      %dma_start3A_1068 = tpu.memref_slice %arg7[%mul3A_2, %dma_start3A_1067] : memref<2048x256xi32, #tpu.memory_space<hbm>> -> memref<64x256xi32, #tpu.memory_space<hbm>>
      %dma_start3A_1069 = arith.constant 0 : i32
      %dma_start3A_1070 = tpu.memref_slice %arg7[%mul3A_2, %dma_start3A_1069] : memref<2048x256xi32, #tpu.memory_space<hbm>> -> memref<64x256xi32, #tpu.memory_space<hbm>>
      tpu.enqueue_dma source(%arg14 : memref<64x256xi32, #tpu.memory_space<vmem>>) target(%dma_start3A_1070 : memref<64x256xi32, #tpu.memory_space<hbm>>) target_semaphore(%run_scoped3A : memref<!tpu.dma_semaphore, #tpu.memory_space<semaphore_mem>>)
      %dma_wait3A_1071 = arith.constant 0 : i32
      %dma_wait3A_1072 = tpu.memref_slice %arg7[%mul3A_2, %dma_wait3A_1071] : memref<2048x256xi32, #tpu.memory_space<hbm>> -> memref<64x256xi32, #tpu.memory_space<hbm>>
      %dma_wait3A_1073 = arith.constant 0 : i32
      %dma_wait3A_1074 = tpu.memref_slice %arg7[%mul3A_2, %dma_wait3A_1073] : memref<2048x256xi32, #tpu.memory_space<hbm>> -> memref<64x256xi32, #tpu.memory_space<hbm>>
      tpu.wait_dma2 semaphore(%run_scoped3A : memref<!tpu.dma_semaphore, #tpu.memory_space<semaphore_mem>>) src(%arg14 : memref<64x256xi32, #tpu.memory_space<vmem>>) dst(%dma_wait3A_1074 : memref<64x256xi32, #tpu.memory_space<hbm>>)
      tpu.yield
    }) : () -> ()
    "tpu.region"() ({
      %run_scoped3A = tpu.sem_alloc : memref<!tpu.dma_semaphore, #tpu.memory_space<semaphore_mem>>
      %dma_start3A_1067 = arith.constant 0 : i32
      %dma_start3A_1068 = tpu.memref_slice %arg8[%mul3A_2, %dma_start3A_1067] : memref<2048x512xi32, #tpu.memory_space<hbm>> -> memref<64x512xi32, #tpu.memory_space<hbm>>
      %dma_start3A_1069 = arith.constant 0 : i32
      %dma_start3A_1070 = tpu.memref_slice %arg8[%mul3A_2, %dma_start3A_1069] : memref<2048x512xi32, #tpu.memory_space<hbm>> -> memref<64x512xi32, #tpu.memory_space<hbm>>
      tpu.enqueue_dma source(%arg15 : memref<64x512xi32, #tpu.memory_space<vmem>>) target(%dma_start3A_1070 : memref<64x512xi32, #tpu.memory_space<hbm>>) target_semaphore(%run_scoped3A : memref<!tpu.dma_semaphore, #tpu.memory_space<semaphore_mem>>)
      %dma_wait3A_1071 = arith.constant 0 : i32
      %dma_wait3A_1072 = tpu.memref_slice %arg8[%mul3A_2, %dma_wait3A_1071] : memref<2048x512xi32, #tpu.memory_space<hbm>> -> memref<64x512xi32, #tpu.memory_space<hbm>>
      %dma_wait3A_1073 = arith.constant 0 : i32
      %dma_wait3A_1074 = tpu.memref_slice %arg8[%mul3A_2, %dma_wait3A_1073] : memref<2048x512xi32, #tpu.memory_space<hbm>> -> memref<64x512xi32, #tpu.memory_space<hbm>>
      tpu.wait_dma2 semaphore(%run_scoped3A : memref<!tpu.dma_semaphore, #tpu.memory_space<semaphore_mem>>) src(%arg15 : memref<64x512xi32, #tpu.memory_space<vmem>>) dst(%dma_wait3A_1074 : memref<64x512xi32, #tpu.memory_space<hbm>>)
      tpu.yield
    }) : () -> ()
    return
  }
}

module attributes {stable_mosaic.version = 14 : i64} {
  func.func @_head_body(%arg0: i32, %arg1: memref<512x128xi32, #tpu.memory_space<vmem>>, %arg2: memref<512x256xi32, #tpu.memory_space<vmem>>, %arg3: memref<512x512xi32, #tpu.memory_space<vmem>>, %arg4: memref<256x1024xf32, #tpu.memory_space<vmem>>, %arg5: memref<512x1024xf32, #tpu.memory_space<vmem>>, %arg6: memref<1024x1024xf32, #tpu.memory_space<vmem>>, %arg7: memref<3072x1024xf32, #tpu.memory_space<vmem>>, %arg8: memref<512x1024xf32, #tpu.memory_space<vmem>>) attributes {dimension_semantics = [#tpu.dimension_semantics<arbitrary>], iteration_bounds = array<i64: 4>, scalar_prefetch = 0 : i64, scratch_operands = 0 : i64, tpu.core_type = #tpu.core_type<tc>, window_params = [{transform_indices = @transform_0, window_bounds = array<i64: 512, 128>}, {transform_indices = @transform_1, window_bounds = array<i64: 512, 256>}, {transform_indices = @transform_2, window_bounds = array<i64: 512, 512>}, {pipeline_mode = #tpu.pipeline_mode<synchronous>, transform_indices = @transform_3, window_bounds = array<i64: 256, 1024>}, {pipeline_mode = #tpu.pipeline_mode<synchronous>, transform_indices = @transform_4, window_bounds = array<i64: 512, 1024>}, {pipeline_mode = #tpu.pipeline_mode<synchronous>, transform_indices = @transform_5, window_bounds = array<i64: 1024, 1024>}, {pipeline_mode = #tpu.pipeline_mode<synchronous>, transform_indices = @transform_6, window_bounds = array<i64: 3072, 1024>}, {transform_indices = @transform_7, window_bounds = array<i64: 512, 1024>}]} {
    %get3A = arith.constant 0 : index
    %get3A_0 = arith.constant 0 : index
    %get3A_1 = vector.load %arg1[%get3A, %get3A_0] : memref<512x128xi32, #tpu.memory_space<vmem>>, vector<512x128xi32>
    %bitcast_convert_type3A = tpu.bitcast %get3A_1 : vector<512x128xi32> -> vector<512x128xi32>
    %shift_left3A = arith.constant 16 : i32
    %shift_left3A_2 = vector.broadcast %shift_left3A : i32 to vector<512x128xi32>
    %shift_left3A_3 = arith.shli %bitcast_convert_type3A, %shift_left3A_2 : vector<512x128xi32>
    %bitcast_convert_type3A_4 = tpu.bitcast %shift_left3A_3 : vector<512x128xi32> -> vector<512x128xf32>
    %and3A = arith.constant -65536 : i32
    %and3A_5 = vector.broadcast %and3A : i32 to vector<512x128xi32>
    %and3A_6 = arith.andi %bitcast_convert_type3A, %and3A_5 : vector<512x128xi32>
    %bitcast_convert_type3A_7 = tpu.bitcast %and3A_6 : vector<512x128xi32> -> vector<512x128xf32>
    %concatenate3A = tpu.concatenate %bitcast_convert_type3A_4, %bitcast_convert_type3A_7 in 1 : vector<512x128xf32>, vector<512x128xf32> -> vector<512x256xf32>
    %reduce_sum3A = arith.constant dense<0.000000e+00> : vector<512xf32>
    %reduce_sum3A_8 = vector.multi_reduction <add>, %concatenate3A, %reduce_sum3A [1] : vector<512x256xf32> to vector<512xf32>
    %broadcast_in_dim3A = vector.shape_cast %reduce_sum3A_8 : vector<512xf32> to vector<512x1xf32>
    %div3A = arith.constant 2.560000e+02 : f32
    %div3A_9 = vector.broadcast %div3A : f32 to vector<512x1xf32>
    %div3A_10 = arith.divf %broadcast_in_dim3A, %div3A_9 : vector<512x1xf32>
    %sub3A = vector.broadcast %div3A_10 : vector<512x1xf32> to vector<512x256xf32>
    %sub3A_11 = arith.subf %concatenate3A, %sub3A : vector<512x256xf32>
    %integer_pow3A = arith.mulf %sub3A_11, %sub3A_11 : vector<512x256xf32>
    %reduce_sum3A_12 = arith.constant dense<0.000000e+00> : vector<512xf32>
    %reduce_sum3A_13 = vector.multi_reduction <add>, %integer_pow3A, %reduce_sum3A_12 [1] : vector<512x256xf32> to vector<512xf32>
    %broadcast_in_dim3A_14 = vector.shape_cast %reduce_sum3A_13 : vector<512xf32> to vector<512x1xf32>
    %div3A_15 = arith.constant 2.560000e+02 : f32
    %div3A_16 = vector.broadcast %div3A_15 : f32 to vector<512x1xf32>
    %div3A_17 = arith.divf %broadcast_in_dim3A_14, %div3A_16 : vector<512x1xf32>
    %sub3A_18 = vector.broadcast %div3A_10 : vector<512x1xf32> to vector<512x256xf32>
    %sub3A_19 = arith.subf %concatenate3A, %sub3A_18 : vector<512x256xf32>
    %add3A = arith.constant 9.99999974E-6 : f32
    %add3A_20 = vector.broadcast %add3A : f32 to vector<512x1xf32>
    %add3A_21 = arith.addf %div3A_17, %add3A_20 : vector<512x1xf32>
    %sqrt3A = math.sqrt %add3A_21 : vector<512x1xf32>
    %div3A_22 = vector.broadcast %sqrt3A : vector<512x1xf32> to vector<512x256xf32>
    %div3A_23 = arith.divf %sub3A_19, %div3A_22 : vector<512x256xf32>
    %get3A_24 = arith.constant 0 : index
    %get3A_25 = arith.constant 0 : index
    %get3A_26 = vector.load %arg4[%get3A_24, %get3A_25] : memref<256x1024xf32, #tpu.memory_space<vmem>>, vector<256x1024xf32>
    %dot_general3A = arith.constant dense<0.000000e+00> : vector<512x1024xf32>
    %dot_general3A_27 = tpu.matmul %div3A_23, %get3A_26, %dot_general3A {dimension_numbers = #tpu.dot_dimension_numbers<[1], [0], [0], [1], [0, 0, 1, 1], [], []>, transpose_lhs_hint = false} : vector<512x256xf32>, vector<256x1024xf32>, vector<512x1024xf32> -> vector<512x1024xf32>
    %get3A_28 = arith.constant 0 : index
    %get3A_29 = arith.constant 0 : index
    %get3A_30 = vector.load %arg2[%get3A_28, %get3A_29] : memref<512x256xi32, #tpu.memory_space<vmem>>, vector<512x256xi32>
    %bitcast_convert_type3A_31 = tpu.bitcast %get3A_30 : vector<512x256xi32> -> vector<512x256xi32>
    %shift_left3A_32 = arith.constant 16 : i32
    %shift_left3A_33 = vector.broadcast %shift_left3A_32 : i32 to vector<512x256xi32>
    %shift_left3A_34 = arith.shli %bitcast_convert_type3A_31, %shift_left3A_33 : vector<512x256xi32>
    %bitcast_convert_type3A_35 = tpu.bitcast %shift_left3A_34 : vector<512x256xi32> -> vector<512x256xf32>
    %and3A_36 = arith.constant -65536 : i32
    %and3A_37 = vector.broadcast %and3A_36 : i32 to vector<512x256xi32>
    %and3A_38 = arith.andi %bitcast_convert_type3A_31, %and3A_37 : vector<512x256xi32>
    %bitcast_convert_type3A_39 = tpu.bitcast %and3A_38 : vector<512x256xi32> -> vector<512x256xf32>
    %concatenate3A_40 = tpu.concatenate %bitcast_convert_type3A_35, %bitcast_convert_type3A_39 in 1 : vector<512x256xf32>, vector<512x256xf32> -> vector<512x512xf32>
    %reduce_sum3A_41 = arith.constant dense<0.000000e+00> : vector<512xf32>
    %reduce_sum3A_42 = vector.multi_reduction <add>, %concatenate3A_40, %reduce_sum3A_41 [1] : vector<512x512xf32> to vector<512xf32>
    %broadcast_in_dim3A_43 = vector.shape_cast %reduce_sum3A_42 : vector<512xf32> to vector<512x1xf32>
    %div3A_44 = arith.constant 5.120000e+02 : f32
    %div3A_45 = vector.broadcast %div3A_44 : f32 to vector<512x1xf32>
    %div3A_46 = arith.divf %broadcast_in_dim3A_43, %div3A_45 : vector<512x1xf32>
    %sub3A_47 = vector.broadcast %div3A_46 : vector<512x1xf32> to vector<512x512xf32>
    %sub3A_48 = arith.subf %concatenate3A_40, %sub3A_47 : vector<512x512xf32>
    %integer_pow3A_49 = arith.mulf %sub3A_48, %sub3A_48 : vector<512x512xf32>
    %reduce_sum3A_50 = arith.constant dense<0.000000e+00> : vector<512xf32>
    %reduce_sum3A_51 = vector.multi_reduction <add>, %integer_pow3A_49, %reduce_sum3A_50 [1] : vector<512x512xf32> to vector<512xf32>
    %broadcast_in_dim3A_52 = vector.shape_cast %reduce_sum3A_51 : vector<512xf32> to vector<512x1xf32>
    %div3A_53 = arith.constant 5.120000e+02 : f32
    %div3A_54 = vector.broadcast %div3A_53 : f32 to vector<512x1xf32>
    %div3A_55 = arith.divf %broadcast_in_dim3A_52, %div3A_54 : vector<512x1xf32>
    %sub3A_56 = vector.broadcast %div3A_46 : vector<512x1xf32> to vector<512x512xf32>
    %sub3A_57 = arith.subf %concatenate3A_40, %sub3A_56 : vector<512x512xf32>
    %add3A_58 = arith.constant 9.99999974E-6 : f32
    %add3A_59 = vector.broadcast %add3A_58 : f32 to vector<512x1xf32>
    %add3A_60 = arith.addf %div3A_55, %add3A_59 : vector<512x1xf32>
    %sqrt3A_61 = math.sqrt %add3A_60 : vector<512x1xf32>
    %div3A_62 = vector.broadcast %sqrt3A_61 : vector<512x1xf32> to vector<512x512xf32>
    %div3A_63 = arith.divf %sub3A_57, %div3A_62 : vector<512x512xf32>
    %get3A_64 = arith.constant 0 : index
    %get3A_65 = arith.constant 0 : index
    %get3A_66 = vector.load %arg5[%get3A_64, %get3A_65] : memref<512x1024xf32, #tpu.memory_space<vmem>>, vector<512x1024xf32>
    %dot_general3A_67 = arith.constant dense<0.000000e+00> : vector<512x1024xf32>
    %dot_general3A_68 = tpu.matmul %div3A_63, %get3A_66, %dot_general3A_67 {dimension_numbers = #tpu.dot_dimension_numbers<[1], [0], [0], [1], [0, 0, 1, 1], [], []>, transpose_lhs_hint = false} : vector<512x512xf32>, vector<512x1024xf32>, vector<512x1024xf32> -> vector<512x1024xf32>
    %get3A_69 = arith.constant 0 : index
    %get3A_70 = arith.constant 0 : index
    %get3A_71 = vector.load %arg3[%get3A_69, %get3A_70] : memref<512x512xi32, #tpu.memory_space<vmem>>, vector<512x512xi32>
    %bitcast_convert_type3A_72 = tpu.bitcast %get3A_71 : vector<512x512xi32> -> vector<512x512xi32>
    %shift_left3A_73 = arith.constant 16 : i32
    %shift_left3A_74 = vector.broadcast %shift_left3A_73 : i32 to vector<512x512xi32>
    %shift_left3A_75 = arith.shli %bitcast_convert_type3A_72, %shift_left3A_74 : vector<512x512xi32>
    %bitcast_convert_type3A_76 = tpu.bitcast %shift_left3A_75 : vector<512x512xi32> -> vector<512x512xf32>
    %and3A_77 = arith.constant -65536 : i32
    %and3A_78 = vector.broadcast %and3A_77 : i32 to vector<512x512xi32>
    %and3A_79 = arith.andi %bitcast_convert_type3A_72, %and3A_78 : vector<512x512xi32>
    %bitcast_convert_type3A_80 = tpu.bitcast %and3A_79 : vector<512x512xi32> -> vector<512x512xf32>
    %concatenate3A_81 = tpu.concatenate %bitcast_convert_type3A_76, %bitcast_convert_type3A_80 in 1 : vector<512x512xf32>, vector<512x512xf32> -> vector<512x1024xf32>
    %reduce_sum3A_82 = arith.constant dense<0.000000e+00> : vector<512xf32>
    %reduce_sum3A_83 = vector.multi_reduction <add>, %concatenate3A_81, %reduce_sum3A_82 [1] : vector<512x1024xf32> to vector<512xf32>
    %broadcast_in_dim3A_84 = vector.shape_cast %reduce_sum3A_83 : vector<512xf32> to vector<512x1xf32>
    %div3A_85 = arith.constant 1.024000e+03 : f32
    %div3A_86 = vector.broadcast %div3A_85 : f32 to vector<512x1xf32>
    %div3A_87 = arith.divf %broadcast_in_dim3A_84, %div3A_86 : vector<512x1xf32>
    %sub3A_88 = vector.broadcast %div3A_87 : vector<512x1xf32> to vector<512x1024xf32>
    %sub3A_89 = arith.subf %concatenate3A_81, %sub3A_88 : vector<512x1024xf32>
    %integer_pow3A_90 = arith.mulf %sub3A_89, %sub3A_89 : vector<512x1024xf32>
    %reduce_sum3A_91 = arith.constant dense<0.000000e+00> : vector<512xf32>
    %reduce_sum3A_92 = vector.multi_reduction <add>, %integer_pow3A_90, %reduce_sum3A_91 [1] : vector<512x1024xf32> to vector<512xf32>
    %broadcast_in_dim3A_93 = vector.shape_cast %reduce_sum3A_92 : vector<512xf32> to vector<512x1xf32>
    %div3A_94 = arith.constant 1.024000e+03 : f32
    %div3A_95 = vector.broadcast %div3A_94 : f32 to vector<512x1xf32>
    %div3A_96 = arith.divf %broadcast_in_dim3A_93, %div3A_95 : vector<512x1xf32>
    %sub3A_97 = vector.broadcast %div3A_87 : vector<512x1xf32> to vector<512x1024xf32>
    %sub3A_98 = arith.subf %concatenate3A_81, %sub3A_97 : vector<512x1024xf32>
    %add3A_99 = arith.constant 9.99999974E-6 : f32
    %add3A_100 = vector.broadcast %add3A_99 : f32 to vector<512x1xf32>
    %add3A_101 = arith.addf %div3A_96, %add3A_100 : vector<512x1xf32>
    %sqrt3A_102 = math.sqrt %add3A_101 : vector<512x1xf32>
    %div3A_103 = vector.broadcast %sqrt3A_102 : vector<512x1xf32> to vector<512x1024xf32>
    %div3A_104 = arith.divf %sub3A_98, %div3A_103 : vector<512x1024xf32>
    %get3A_105 = arith.constant 0 : index
    %get3A_106 = arith.constant 0 : index
    %get3A_107 = vector.load %arg6[%get3A_105, %get3A_106] : memref<1024x1024xf32, #tpu.memory_space<vmem>>, vector<1024x1024xf32>
    %dot_general3A_108 = arith.constant dense<0.000000e+00> : vector<512x1024xf32>
    %dot_general3A_109 = tpu.matmul %div3A_104, %get3A_107, %dot_general3A_108 {dimension_numbers = #tpu.dot_dimension_numbers<[1], [0], [0], [1], [0, 0, 1, 1], [], []>, transpose_lhs_hint = false} : vector<512x1024xf32>, vector<1024x1024xf32>, vector<512x1024xf32> -> vector<512x1024xf32>
    %concatenate3A_110 = tpu.concatenate %dot_general3A_27, %dot_general3A_68, %dot_general3A_109 in 1 : vector<512x1024xf32>, vector<512x1024xf32>, vector<512x1024xf32> -> vector<512x3072xf32>
    %reduce_sum3A_111 = arith.constant dense<0.000000e+00> : vector<512xf32>
    %reduce_sum3A_112 = vector.multi_reduction <add>, %concatenate3A_110, %reduce_sum3A_111 [1] : vector<512x3072xf32> to vector<512xf32>
    %broadcast_in_dim3A_113 = vector.shape_cast %reduce_sum3A_112 : vector<512xf32> to vector<512x1xf32>
    %div3A_114 = arith.constant 3.072000e+03 : f32
    %div3A_115 = vector.broadcast %div3A_114 : f32 to vector<512x1xf32>
    %div3A_116 = arith.divf %broadcast_in_dim3A_113, %div3A_115 : vector<512x1xf32>
    %sub3A_117 = vector.broadcast %div3A_116 : vector<512x1xf32> to vector<512x3072xf32>
    %sub3A_118 = arith.subf %concatenate3A_110, %sub3A_117 : vector<512x3072xf32>
    %integer_pow3A_119 = arith.mulf %sub3A_118, %sub3A_118 : vector<512x3072xf32>
    %reduce_sum3A_120 = arith.constant dense<0.000000e+00> : vector<512xf32>
    %reduce_sum3A_121 = vector.multi_reduction <add>, %integer_pow3A_119, %reduce_sum3A_120 [1] : vector<512x3072xf32> to vector<512xf32>
    %broadcast_in_dim3A_122 = vector.shape_cast %reduce_sum3A_121 : vector<512xf32> to vector<512x1xf32>
    %div3A_123 = arith.constant 3.072000e+03 : f32
    %div3A_124 = vector.broadcast %div3A_123 : f32 to vector<512x1xf32>
    %div3A_125 = arith.divf %broadcast_in_dim3A_122, %div3A_124 : vector<512x1xf32>
    %sub3A_126 = vector.broadcast %div3A_116 : vector<512x1xf32> to vector<512x3072xf32>
    %sub3A_127 = arith.subf %concatenate3A_110, %sub3A_126 : vector<512x3072xf32>
    %add3A_128 = arith.constant 9.99999974E-6 : f32
    %add3A_129 = vector.broadcast %add3A_128 : f32 to vector<512x1xf32>
    %add3A_130 = arith.addf %div3A_125, %add3A_129 : vector<512x1xf32>
    %sqrt3A_131 = math.sqrt %add3A_130 : vector<512x1xf32>
    %div3A_132 = vector.broadcast %sqrt3A_131 : vector<512x1xf32> to vector<512x3072xf32>
    %div3A_133 = arith.divf %sub3A_127, %div3A_132 : vector<512x3072xf32>
    %get3A_134 = arith.constant 0 : index
    %get3A_135 = arith.constant 0 : index
    %get3A_136 = vector.load %arg7[%get3A_134, %get3A_135] : memref<3072x1024xf32, #tpu.memory_space<vmem>>, vector<3072x1024xf32>
    %dot_general3A_137 = arith.constant dense<0.000000e+00> : vector<512x1024xf32>
    %dot_general3A_138 = tpu.matmul %div3A_133, %get3A_136, %dot_general3A_137 {dimension_numbers = #tpu.dot_dimension_numbers<[1], [0], [0], [1], [0, 0, 1, 1], [], []>, transpose_lhs_hint = false} : vector<512x3072xf32>, vector<3072x1024xf32>, vector<512x1024xf32> -> vector<512x1024xf32>
    %swap3A = arith.constant 0 : index
    %swap3A_139 = arith.constant 0 : index
    %swap3A_140 = vector.load %arg8[%swap3A, %swap3A_139] : memref<512x1024xf32, #tpu.memory_space<vmem>>, vector<512x1024xf32>
    tpu.vector_store %arg8[%swap3A, %swap3A_139], %dot_general3A_138 {strides = array<i32>} : memref<512x1024xf32, #tpu.memory_space<vmem>>, vector<512x1024xf32>,
    return
  }
  func.func @transform_0(%arg0: i32) -> (i32, i32) {
    %c0_i32 = arith.constant 0 : i32
    %c0_i32_0 = arith.constant 0 : i32
    return %arg0, %c0_i32 : i32, i32
  }
  func.func @transform_1(%arg0: i32) -> (i32, i32) {
    %c0_i32 = arith.constant 0 : i32
    %c0_i32_0 = arith.constant 0 : i32
    return %arg0, %c0_i32 : i32, i32
  }
  func.func @transform_2(%arg0: i32) -> (i32, i32) {
    %c0_i32 = arith.constant 0 : i32
    %c0_i32_0 = arith.constant 0 : i32
    return %arg0, %c0_i32 : i32, i32
  }
  func.func @transform_3(%arg0: i32) -> (i32, i32) {
    %c0_i32 = arith.constant 0 : i32
    %c0_i32_0 = arith.constant 0 : i32
    %c0_i32_1 = arith.constant 0 : i32
    return %c0_i32, %c0_i32_0 : i32, i32
  }
  func.func @transform_4(%arg0: i32) -> (i32, i32) {
    %c0_i32 = arith.constant 0 : i32
    %c0_i32_0 = arith.constant 0 : i32
    %c0_i32_1 = arith.constant 0 : i32
    return %c0_i32, %c0_i32_0 : i32, i32
  }
  func.func @transform_5(%arg0: i32) -> (i32, i32) {
    %c0_i32 = arith.constant 0 : i32
    %c0_i32_0 = arith.constant 0 : i32
    %c0_i32_1 = arith.constant 0 : i32
    return %c0_i32, %c0_i32_0 : i32, i32
  }
  func.func @transform_6(%arg0: i32) -> (i32, i32) {
    %c0_i32 = arith.constant 0 : i32
    %c0_i32_0 = arith.constant 0 : i32
    %c0_i32_1 = arith.constant 0 : i32
    return %c0_i32, %c0_i32_0 : i32, i32
  }
  func.func @transform_7(%arg0: i32) -> (i32, i32) {
    %c0_i32 = arith.constant 0 : i32
    %c0_i32_0 = arith.constant 0 : i32
    return %arg0, %c0_i32 : i32, i32
  }
}

module attributes {stable_mosaic.version = 14 : i64} {
  func.func @_tables_body(%arg0: i32, %arg1: memref<1600x256xf32, #tpu.memory_space<vmem>>, %arg2: memref<80x256xf32, #tpu.memory_space<vmem>>, %arg3: memref<80x256xf32, #tpu.memory_space<vmem>>, %arg4: memref<400x512xf32, #tpu.memory_space<vmem>>, %arg5: memref<40x512xf32, #tpu.memory_space<vmem>>, %arg6: memref<40x512xf32, #tpu.memory_space<vmem>>, %arg7: memref<400x1024xf32, #tpu.memory_space<vmem>>, %arg8: memref<1600x128xi32, #tpu.memory_space<vmem>>, %arg9: memref<400x256xi32, #tpu.memory_space<vmem>>, %arg10: memref<400x512xi32, #tpu.memory_space<vmem>>) attributes {dimension_semantics = [#tpu.dimension_semantics<arbitrary>], iteration_bounds = array<i64: 4>, scalar_prefetch = 0 : i64, scratch_operands = 0 : i64, tpu.core_type = #tpu.core_type<tc>, window_params = [{transform_indices = @transform_0, window_bounds = array<i64: 1600, 256>}, {transform_indices = @transform_1, window_bounds = array<i64: 80, 256>}, {transform_indices = @transform_2, window_bounds = array<i64: 80, 256>}, {transform_indices = @transform_3, window_bounds = array<i64: 400, 512>}, {transform_indices = @transform_4, window_bounds = array<i64: 40, 512>}, {transform_indices = @transform_5, window_bounds = array<i64: 40, 512>}, {pipeline_mode = #tpu.pipeline_mode<synchronous>, transform_indices = @transform_6, window_bounds = array<i64: 400, 1024>}, {transform_indices = @transform_7, window_bounds = array<i64: 1600, 128>}, {transform_indices = @transform_8, window_bounds = array<i64: 400, 256>}, {pipeline_mode = #tpu.pipeline_mode<synchronous>, transform_indices = @transform_9, window_bounds = array<i64: 400, 512>}]} {
    %get3A = arith.constant 0 : index
    %get3A_0 = arith.constant 0 : index
    %get3A_1 = vector.load %arg2[%get3A, %get3A_0] : memref<80x256xf32, #tpu.memory_space<vmem>>, vector<80x256xf32>
    %get3A_2 = arith.constant 0 : index
    %get3A_3 = arith.constant 0 : index
    %get3A_4 = vector.load %arg1[%get3A_2, %get3A_3] : memref<1600x256xf32, #tpu.memory_space<vmem>>, vector<1600x256xf32>
    %get3A_5 = arith.constant 0 : index
    %get3A_6 = arith.constant 0 : index
    %get3A_7 = vector.load %arg3[%get3A_5, %get3A_6] : memref<80x256xf32, #tpu.memory_space<vmem>>, vector<80x256xf32>
    %concatenate3A = tpu.concatenate %get3A_1, %get3A_4, %get3A_7 in 0 : vector<80x256xf32>, vector<1600x256xf32>, vector<80x256xf32> -> vector<1760x256xf32>
    %iota3A = tpu.iota {dimensions = array<i32: 0>} : vector<1760x256xi32>
    %jit3A = arith.constant 80 : i32
    %eq3A = arith.constant 0 : i32
    %eq3A_8 = arith.cmpi eq, %jit3A, %eq3A : i32
    %jit3A_9 = arith.constant 1 : i32
    %select_n3A = arith.select %eq3A_8, %jit3A_9, %jit3A : i32
    %rem3A = vector.broadcast %select_n3A : i32 to vector<1760x256xi32>
    %rem3A_10 = arith.remsi %iota3A, %rem3A : vector<1760x256xi32>
    %ne3A = arith.constant 0 : i32
    %ne3A_11 = vector.broadcast %ne3A : i32 to vector<1760x256xi32>
    %ne3A_12 = arith.cmpi ne, %rem3A_10, %ne3A_11 : vector<1760x256xi32>
    %lt3A = arith.constant 0 : i32
    %lt3A_13 = vector.broadcast %lt3A : i32 to vector<1760x256xi32>
    %lt3A_14 = arith.cmpi slt, %rem3A_10, %lt3A_13 : vector<1760x256xi32>
    %lt3A_15 = arith.constant 0 : i32
    %lt3A_16 = arith.cmpi slt, %select_n3A, %lt3A_15 : i32
    %ne3A_17 = vector.broadcast %lt3A_16 : i1 to vector<1760x256xi1>
    %ne3A_18 = vector.broadcast %ne3A_17 : vector<1760x256xi1> to vector<1760x256xi1>
    %ne3A_19 = arith.xori %lt3A_14, %ne3A_18 : vector<1760x256xi1>
    %and3A = arith.andi %ne3A_19, %ne3A_12 : vector<1760x256xi1>
    %add3A = vector.broadcast %select_n3A : i32 to vector<1760x256xi32>
    %add3A_20 = arith.addi %rem3A_10, %add3A : vector<1760x256xi32>
    %select_n3A_21 = arith.select %and3A, %add3A_20, %rem3A_10 : vector<1760x256xi1>, vector<1760x256xi32>
    %slice3A = vector.extract_strided_slice %concatenate3A {offsets = [0, 0], sizes = [1, 256], strides = [1, 1]} : vector<1760x256xf32> to vector<1x256xf32>
    %slice3A_22 = vector.extract_strided_slice %concatenate3A {offsets = [0, 0], sizes = [1759, 256], strides = [1, 1]} : vector<1760x256xf32> to vector<1759x256xf32>
    %concatenate3A_23 = tpu.concatenate %slice3A, %slice3A_22 in 0 : vector<1x256xf32>, vector<1759x256xf32> -> vector<1760x256xf32>
    %slice3A_24 = vector.extract_strided_slice %concatenate3A {offsets = [1, 0], sizes = [1759, 256], strides = [1, 1]} : vector<1760x256xf32> to vector<1759x256xf32>
    %slice3A_25 = vector.extract_strided_slice %concatenate3A {offsets = [1759, 0], sizes = [1, 256], strides = [1, 1]} : vector<1760x256xf32> to vector<1x256xf32>
    %concatenate3A_26 = tpu.concatenate %slice3A_24, %slice3A_25 in 0 : vector<1759x256xf32>, vector<1x256xf32> -> vector<1760x256xf32>
    %eq3A_27 = arith.constant 0 : i32
    %eq3A_28 = vector.broadcast %eq3A_27 : i32 to vector<1760x256xi32>
    %eq3A_29 = arith.cmpi eq, %select_n3A_21, %eq3A_28 : vector<1760x256xi32>
    %select_n3A_30 = arith.select %eq3A_29, %concatenate3A, %concatenate3A_23 : vector<1760x256xi1>, vector<1760x256xf32>
    %eq3A_31 = arith.constant 79 : i32
    %eq3A_32 = vector.broadcast %eq3A_31 : i32 to vector<1760x256xi32>
    %eq3A_33 = arith.cmpi eq, %select_n3A_21, %eq3A_32 : vector<1760x256xi32>
    %select_n3A_34 = arith.select %eq3A_33, %concatenate3A, %concatenate3A_26 : vector<1760x256xi1>, vector<1760x256xf32>
    %mul3A = arith.constant 0.57611686 : f32
    %mul3A_35 = vector.broadcast %mul3A : f32 to vector<1760x256xf32>
    %mul3A_36 = arith.mulf %mul3A_35, %concatenate3A : vector<1760x256xf32>
    %add3A_37 = arith.addf %select_n3A_30, %select_n3A_34 : vector<1760x256xf32>
    %mul3A_38 = arith.constant 0.211941555 : f32
    %mul3A_39 = vector.broadcast %mul3A_38 : f32 to vector<1760x256xf32>
    %mul3A_40 = arith.mulf %mul3A_39, %add3A_37 : vector<1760x256xf32>
    %add3A_41 = arith.addf %mul3A_36, %mul3A_40 : vector<1760x256xf32>
    %slice3A_42 = vector.extract_strided_slice %add3A_41 {offsets = [80, 0], sizes = [1600, 256], strides = [1, 1]} : vector<1760x256xf32> to vector<1600x256xf32>
    %mul3A_43 = arith.constant 0.57611686 : f32
    %mul3A_44 = vector.broadcast %mul3A_43 : f32 to vector<1600x256xf32>
    %mul3A_45 = arith.mulf %mul3A_44, %slice3A_42 : vector<1600x256xf32>
    %slice3A_46 = vector.extract_strided_slice %add3A_41 {offsets = [0, 0], sizes = [1600, 256], strides = [1, 1]} : vector<1760x256xf32> to vector<1600x256xf32>
    %slice3A_47 = vector.extract_strided_slice %add3A_41 {offsets = [160, 0], sizes = [1600, 256], strides = [1, 1]} : vector<1760x256xf32> to vector<1600x256xf32>
    %add3A_48 = arith.addf %slice3A_46, %slice3A_47 : vector<1600x256xf32>
    %mul3A_49 = arith.constant 0.211941555 : f32
    %mul3A_50 = vector.broadcast %mul3A_49 : f32 to vector<1600x256xf32>
    %mul3A_51 = arith.mulf %mul3A_50, %add3A_48 : vector<1600x256xf32>
    %add3A_52 = arith.addf %mul3A_45, %mul3A_51 : vector<1600x256xf32>
    %slice3A_53 = vector.extract_strided_slice %add3A_52 {offsets = [0, 0], sizes = [1600, 128], strides = [1, 1]} : vector<1600x256xf32> to vector<1600x128xf32>
    %slice3A_54 = vector.extract_strided_slice %add3A_52 {offsets = [0, 128], sizes = [1600, 128], strides = [1, 1]} : vector<1600x256xf32> to vector<1600x128xf32>
    %bitcast_convert_type3A = tpu.bitcast %slice3A_53 : vector<1600x128xf32> -> vector<1600x128xi32>
    %bitcast_convert_type3A_55 = tpu.bitcast %slice3A_54 : vector<1600x128xf32> -> vector<1600x128xi32>
    %add3A_56 = arith.constant 32767 : i32
    %add3A_57 = vector.broadcast %add3A_56 : i32 to vector<1600x128xi32>
    %add3A_58 = arith.addi %bitcast_convert_type3A, %add3A_57 : vector<1600x128xi32>
    %shift_right_logical3A = arith.constant 16 : i32
    %shift_right_logical3A_59 = vector.broadcast %shift_right_logical3A : i32 to vector<1600x128xi32>
    %shift_right_logical3A_60 = arith.shrui %bitcast_convert_type3A, %shift_right_logical3A_59 : vector<1600x128xi32>
    %and3A_61 = arith.constant 1 : i32
    %and3A_62 = vector.broadcast %and3A_61 : i32 to vector<1600x128xi32>
    %and3A_63 = arith.andi %shift_right_logical3A_60, %and3A_62 : vector<1600x128xi32>
    %add3A_64 = arith.addi %add3A_58, %and3A_63 : vector<1600x128xi32>
    %shift_right_logical3A_65 = arith.constant 16 : i32
    %shift_right_logical3A_66 = vector.broadcast %shift_right_logical3A_65 : i32 to vector<1600x128xi32>
    %shift_right_logical3A_67 = arith.shrui %add3A_64, %shift_right_logical3A_66 : vector<1600x128xi32>
    %add3A_68 = arith.constant 32767 : i32
    %add3A_69 = vector.broadcast %add3A_68 : i32 to vector<1600x128xi32>
    %add3A_70 = arith.addi %bitcast_convert_type3A_55, %add3A_69 : vector<1600x128xi32>
    %shift_right_logical3A_71 = arith.constant 16 : i32
    %shift_right_logical3A_72 = vector.broadcast %shift_right_logical3A_71 : i32 to vector<1600x128xi32>
    %shift_right_logical3A_73 = arith.shrui %bitcast_convert_type3A_55, %shift_right_logical3A_72 : vector<1600x128xi32>
    %and3A_74 = arith.constant 1 : i32
    %and3A_75 = vector.broadcast %and3A_74 : i32 to vector<1600x128xi32>
    %and3A_76 = arith.andi %shift_right_logical3A_73, %and3A_75 : vector<1600x128xi32>
    %add3A_77 = arith.addi %add3A_70, %and3A_76 : vector<1600x128xi32>
    %shift_right_logical3A_78 = arith.constant 16 : i32
    %shift_right_logical3A_79 = vector.broadcast %shift_right_logical3A_78 : i32 to vector<1600x128xi32>
    %shift_right_logical3A_80 = arith.shrui %add3A_77, %shift_right_logical3A_79 : vector<1600x128xi32>
    %shift_left3A = arith.constant 16 : i32
    %shift_left3A_81 = vector.broadcast %shift_left3A : i32 to vector<1600x128xi32>
    %shift_left3A_82 = arith.shli %shift_right_logical3A_80, %shift_left3A_81 : vector<1600x128xi32>
    %or3A = arith.ori %shift_right_logical3A_67, %shift_left3A_82 : vector<1600x128xi32>
    %bitcast_convert_type3A_83 = tpu.bitcast %or3A : vector<1600x128xi32> -> vector<1600x128xi32>
    %swap3A = arith.constant 0 : index
    %swap3A_84 = arith.constant 0 : index
    %swap3A_85 = vector.load %arg8[%swap3A, %swap3A_84] : memref<1600x128xi32, #tpu.memory_space<vmem>>, vector<1600x128xi32>
    tpu.vector_store %arg8[%swap3A, %swap3A_84], %bitcast_convert_type3A_83 {strides = array<i32>} : memref<1600x128xi32, #tpu.memory_space<vmem>>, vector<1600x128xi32>,
    %get3A_86 = arith.constant 0 : index
    %get3A_87 = arith.constant 0 : index
    %get3A_88 = vector.load %arg5[%get3A_86, %get3A_87] : memref<40x512xf32, #tpu.memory_space<vmem>>, vector<40x512xf32>
    %get3A_89 = arith.constant 0 : index
    %get3A_90 = arith.constant 0 : index
    %get3A_91 = vector.load %arg4[%get3A_89, %get3A_90] : memref<400x512xf32, #tpu.memory_space<vmem>>, vector<400x512xf32>
    %get3A_92 = arith.constant 0 : index
    %get3A_93 = arith.constant 0 : index
    %get3A_94 = vector.load %arg6[%get3A_92, %get3A_93] : memref<40x512xf32, #tpu.memory_space<vmem>>, vector<40x512xf32>
    %concatenate3A_95 = tpu.concatenate %get3A_88, %get3A_91, %get3A_94 in 0 : vector<40x512xf32>, vector<400x512xf32>, vector<40x512xf32> -> vector<480x512xf32>
    %iota3A_96 = tpu.iota {dimensions = array<i32: 0>} : vector<480x512xi32>
    %jit3A_97 = arith.constant 40 : i32
    %eq3A_98 = arith.constant 0 : i32
    %eq3A_99 = arith.cmpi eq, %jit3A_97, %eq3A_98 : i32
    %jit3A_100 = arith.constant 1 : i32
    %select_n3A_101 = arith.select %eq3A_99, %jit3A_100, %jit3A_97 : i32
    %rem3A_102 = vector.broadcast %select_n3A_101 : i32 to vector<480x512xi32>
    %rem3A_103 = arith.remsi %iota3A_96, %rem3A_102 : vector<480x512xi32>
    %ne3A_104 = arith.constant 0 : i32
    %ne3A_105 = vector.broadcast %ne3A_104 : i32 to vector<480x512xi32>
    %ne3A_106 = arith.cmpi ne, %rem3A_103, %ne3A_105 : vector<480x512xi32>
    %lt3A_107 = arith.constant 0 : i32
    %lt3A_108 = vector.broadcast %lt3A_107 : i32 to vector<480x512xi32>
    %lt3A_109 = arith.cmpi slt, %rem3A_103, %lt3A_108 : vector<480x512xi32>
    %lt3A_110 = arith.constant 0 : i32
    %lt3A_111 = arith.cmpi slt, %select_n3A_101, %lt3A_110 : i32
    %ne3A_112 = vector.broadcast %lt3A_111 : i1 to vector<480x512xi1>
    %ne3A_113 = vector.broadcast %ne3A_112 : vector<480x512xi1> to vector<480x512xi1>
    %ne3A_114 = arith.xori %lt3A_109, %ne3A_113 : vector<480x512xi1>
    %and3A_115 = arith.andi %ne3A_114, %ne3A_106 : vector<480x512xi1>
    %add3A_116 = vector.broadcast %select_n3A_101 : i32 to vector<480x512xi32>
    %add3A_117 = arith.addi %rem3A_103, %add3A_116 : vector<480x512xi32>
    %select_n3A_118 = arith.select %and3A_115, %add3A_117, %rem3A_103 : vector<480x512xi1>, vector<480x512xi32>
    %slice3A_119 = vector.extract_strided_slice %concatenate3A_95 {offsets = [0, 0], sizes = [1, 512], strides = [1, 1]} : vector<480x512xf32> to vector<1x512xf32>
    %slice3A_120 = vector.extract_strided_slice %concatenate3A_95 {offsets = [0, 0], sizes = [479, 512], strides = [1, 1]} : vector<480x512xf32> to vector<479x512xf32>
    %concatenate3A_121 = tpu.concatenate %slice3A_119, %slice3A_120 in 0 : vector<1x512xf32>, vector<479x512xf32> -> vector<480x512xf32>
    %slice3A_122 = vector.extract_strided_slice %concatenate3A_95 {offsets = [1, 0], sizes = [479, 512], strides = [1, 1]} : vector<480x512xf32> to vector<479x512xf32>
    %slice3A_123 = vector.extract_strided_slice %concatenate3A_95 {offsets = [479, 0], sizes = [1, 512], strides = [1, 1]} : vector<480x512xf32> to vector<1x512xf32>
    %concatenate3A_124 = tpu.concatenate %slice3A_122, %slice3A_123 in 0 : vector<479x512xf32>, vector<1x512xf32> -> vector<480x512xf32>
    %eq3A_125 = arith.constant 0 : i32
    %eq3A_126 = vector.broadcast %eq3A_125 : i32 to vector<480x512xi32>
    %eq3A_127 = arith.cmpi eq, %select_n3A_118, %eq3A_126 : vector<480x512xi32>
    %select_n3A_128 = arith.select %eq3A_127, %concatenate3A_95, %concatenate3A_121 : vector<480x512xi1>, vector<480x512xf32>
    %eq3A_129 = arith.constant 39 : i32
    %eq3A_130 = vector.broadcast %eq3A_129 : i32 to vector<480x512xi32>
    %eq3A_131 = arith.cmpi eq, %select_n3A_118, %eq3A_130 : vector<480x512xi32>
    %select_n3A_132 = arith.select %eq3A_131, %concatenate3A_95, %concatenate3A_124 : vector<480x512xi1>, vector<480x512xf32>
    %mul3A_133 = arith.constant 0.57611686 : f32
    %mul3A_134 = vector.broadcast %mul3A_133 : f32 to vector<480x512xf32>
    %mul3A_135 = arith.mulf %mul3A_134, %concatenate3A_95 : vector<480x512xf32>
    %add3A_136 = arith.addf %select_n3A_128, %select_n3A_132 : vector<480x512xf32>
    %mul3A_137 = arith.constant 0.211941555 : f32
    %mul3A_138 = vector.broadcast %mul3A_137 : f32 to vector<480x512xf32>
    %mul3A_139 = arith.mulf %mul3A_138, %add3A_136 : vector<480x512xf32>
    %add3A_140 = arith.addf %mul3A_135, %mul3A_139 : vector<480x512xf32>
    %slice3A_141 = vector.extract_strided_slice %add3A_140 {offsets = [40, 0], sizes = [400, 512], strides = [1, 1]} : vector<480x512xf32> to vector<400x512xf32>
    %mul3A_142 = arith.constant 0.57611686 : f32
    %mul3A_143 = vector.broadcast %mul3A_142 : f32 to vector<400x512xf32>
    %mul3A_144 = arith.mulf %mul3A_143, %slice3A_141 : vector<400x512xf32>
    %slice3A_145 = vector.extract_strided_slice %add3A_140 {offsets = [0, 0], sizes = [400, 512], strides = [1, 1]} : vector<480x512xf32> to vector<400x512xf32>
    %slice3A_146 = vector.extract_strided_slice %add3A_140 {offsets = [80, 0], sizes = [400, 512], strides = [1, 1]} : vector<480x512xf32> to vector<400x512xf32>
    %add3A_147 = arith.addf %slice3A_145, %slice3A_146 : vector<400x512xf32>
    %mul3A_148 = arith.constant 0.211941555 : f32
    %mul3A_149 = vector.broadcast %mul3A_148 : f32 to vector<400x512xf32>
    %mul3A_150 = arith.mulf %mul3A_149, %add3A_147 : vector<400x512xf32>
    %add3A_151 = arith.addf %mul3A_144, %mul3A_150 : vector<400x512xf32>
    %slice3A_152 = vector.extract_strided_slice %add3A_151 {offsets = [0, 0], sizes = [400, 256], strides = [1, 1]} : vector<400x512xf32> to vector<400x256xf32>
    %slice3A_153 = vector.extract_strided_slice %add3A_151 {offsets = [0, 256], sizes = [400, 256], strides = [1, 1]} : vector<400x512xf32> to vector<400x256xf32>
    %bitcast_convert_type3A_154 = tpu.bitcast %slice3A_152 : vector<400x256xf32> -> vector<400x256xi32>
    %bitcast_convert_type3A_155 = tpu.bitcast %slice3A_153 : vector<400x256xf32> -> vector<400x256xi32>
    %add3A_156 = arith.constant 32767 : i32
    %add3A_157 = vector.broadcast %add3A_156 : i32 to vector<400x256xi32>
    %add3A_158 = arith.addi %bitcast_convert_type3A_154, %add3A_157 : vector<400x256xi32>
    %shift_right_logical3A_159 = arith.constant 16 : i32
    %shift_right_logical3A_160 = vector.broadcast %shift_right_logical3A_159 : i32 to vector<400x256xi32>
    %shift_right_logical3A_161 = arith.shrui %bitcast_convert_type3A_154, %shift_right_logical3A_160 : vector<400x256xi32>
    %and3A_162 = arith.constant 1 : i32
    %and3A_163 = vector.broadcast %and3A_162 : i32 to vector<400x256xi32>
    %and3A_164 = arith.andi %shift_right_logical3A_161, %and3A_163 : vector<400x256xi32>
    %add3A_165 = arith.addi %add3A_158, %and3A_164 : vector<400x256xi32>
    %shift_right_logical3A_166 = arith.constant 16 : i32
    %shift_right_logical3A_167 = vector.broadcast %shift_right_logical3A_166 : i32 to vector<400x256xi32>
    %shift_right_logical3A_168 = arith.shrui %add3A_165, %shift_right_logical3A_167 : vector<400x256xi32>
    %add3A_169 = arith.constant 32767 : i32
    %add3A_170 = vector.broadcast %add3A_169 : i32 to vector<400x256xi32>
    %add3A_171 = arith.addi %bitcast_convert_type3A_155, %add3A_170 : vector<400x256xi32>
    %shift_right_logical3A_172 = arith.constant 16 : i32
    %shift_right_logical3A_173 = vector.broadcast %shift_right_logical3A_172 : i32 to vector<400x256xi32>
    %shift_right_logical3A_174 = arith.shrui %bitcast_convert_type3A_155, %shift_right_logical3A_173 : vector<400x256xi32>
    %and3A_175 = arith.constant 1 : i32
    %and3A_176 = vector.broadcast %and3A_175 : i32 to vector<400x256xi32>
    %and3A_177 = arith.andi %shift_right_logical3A_174, %and3A_176 : vector<400x256xi32>
    %add3A_178 = arith.addi %add3A_171, %and3A_177 : vector<400x256xi32>
    %shift_right_logical3A_179 = arith.constant 16 : i32
    %shift_right_logical3A_180 = vector.broadcast %shift_right_logical3A_179 : i32 to vector<400x256xi32>
    %shift_right_logical3A_181 = arith.shrui %add3A_178, %shift_right_logical3A_180 : vector<400x256xi32>
    %shift_left3A_182 = arith.constant 16 : i32
    %shift_left3A_183 = vector.broadcast %shift_left3A_182 : i32 to vector<400x256xi32>
    %shift_left3A_184 = arith.shli %shift_right_logical3A_181, %shift_left3A_183 : vector<400x256xi32>
    %or3A_185 = arith.ori %shift_right_logical3A_168, %shift_left3A_184 : vector<400x256xi32>
    %bitcast_convert_type3A_186 = tpu.bitcast %or3A_185 : vector<400x256xi32> -> vector<400x256xi32>
    %swap3A_187 = arith.constant 0 : index
    %swap3A_188 = arith.constant 0 : index
    %swap3A_189 = vector.load %arg9[%swap3A_187, %swap3A_188] : memref<400x256xi32, #tpu.memory_space<vmem>>, vector<400x256xi32>
    tpu.vector_store %arg9[%swap3A_187, %swap3A_188], %bitcast_convert_type3A_186 {strides = array<i32>} : memref<400x256xi32, #tpu.memory_space<vmem>>, vector<400x256xi32>,
    %eq3A_190 = arith.constant 0 : i32
    %eq3A_191 = arith.cmpi eq, %arg0, %eq3A_190 : i32
    %convert_element_type3A = arith.extui %eq3A_191 : i1 to i32
    %cond3A = arith.constant 0 : i32
    %cond3A_192 = arith.cmpi ne, %convert_element_type3A, %cond3A : i32
    scf.if %cond3A_192 {
      %get3A_193 = arith.constant 0 : index
      %get3A_194 = arith.constant 0 : index
      %get3A_195 = vector.load %arg7[%get3A_193, %get3A_194] : memref<400x1024xf32, #tpu.memory_space<vmem>>, vector<400x1024xf32>
      %iota3A_196 = tpu.iota {dimensions = array<i32: 0>} : vector<400x1024xi32>
      %jit3A_197 = arith.constant 20 : i32
      %eq3A_198 = arith.constant 0 : i32
      %eq3A_199 = arith.cmpi eq, %jit3A_197, %eq3A_198 : i32
      %jit3A_200 = arith.constant 1 : i32
      %select_n3A_201 = arith.select %eq3A_199, %jit3A_200, %jit3A_197 : i32
      %rem3A_202 = vector.broadcast %select_n3A_201 : i32 to vector<400x1024xi32>
      %rem3A_203 = arith.remsi %iota3A_196, %rem3A_202 : vector<400x1024xi32>
      %ne3A_204 = arith.constant 0 : i32
      %ne3A_205 = vector.broadcast %ne3A_204 : i32 to vector<400x1024xi32>
      %ne3A_206 = arith.cmpi ne, %rem3A_203, %ne3A_205 : vector<400x1024xi32>
      %lt3A_207 = arith.constant 0 : i32
      %lt3A_208 = vector.broadcast %lt3A_207 : i32 to vector<400x1024xi32>
      %lt3A_209 = arith.cmpi slt, %rem3A_203, %lt3A_208 : vector<400x1024xi32>
      %lt3A_210 = arith.constant 0 : i32
      %lt3A_211 = arith.cmpi slt, %select_n3A_201, %lt3A_210 : i32
      %ne3A_212 = vector.broadcast %lt3A_211 : i1 to vector<400x1024xi1>
      %ne3A_213 = vector.broadcast %ne3A_212 : vector<400x1024xi1> to vector<400x1024xi1>
      %ne3A_214 = arith.xori %lt3A_209, %ne3A_213 : vector<400x1024xi1>
      %and3A_215 = arith.andi %ne3A_214, %ne3A_206 : vector<400x1024xi1>
      %add3A_216 = vector.broadcast %select_n3A_201 : i32 to vector<400x1024xi32>
      %add3A_217 = arith.addi %rem3A_203, %add3A_216 : vector<400x1024xi32>
      %select_n3A_218 = arith.select %and3A_215, %add3A_217, %rem3A_203 : vector<400x1024xi1>, vector<400x1024xi32>
      %slice3A_219 = vector.extract_strided_slice %get3A_195 {offsets = [0, 0], sizes = [1, 1024], strides = [1, 1]} : vector<400x1024xf32> to vector<1x1024xf32>
      %slice3A_220 = vector.extract_strided_slice %get3A_195 {offsets = [0, 0], sizes = [399, 1024], strides = [1, 1]} : vector<400x1024xf32> to vector<399x1024xf32>
      %concatenate3A_221 = tpu.concatenate %slice3A_219, %slice3A_220 in 0 : vector<1x1024xf32>, vector<399x1024xf32> -> vector<400x1024xf32>
      %slice3A_222 = vector.extract_strided_slice %get3A_195 {offsets = [1, 0], sizes = [399, 1024], strides = [1, 1]} : vector<400x1024xf32> to vector<399x1024xf32>
      %slice3A_223 = vector.extract_strided_slice %get3A_195 {offsets = [399, 0], sizes = [1, 1024], strides = [1, 1]} : vector<400x1024xf32> to vector<1x1024xf32>
      %concatenate3A_224 = tpu.concatenate %slice3A_222, %slice3A_223 in 0 : vector<399x1024xf32>, vector<1x1024xf32> -> vector<400x1024xf32>
      %eq3A_225 = arith.constant 0 : i32
      %eq3A_226 = vector.broadcast %eq3A_225 : i32 to vector<400x1024xi32>
      %eq3A_227 = arith.cmpi eq, %select_n3A_218, %eq3A_226 : vector<400x1024xi32>
      %select_n3A_228 = arith.select %eq3A_227, %get3A_195, %concatenate3A_221 : vector<400x1024xi1>, vector<400x1024xf32>
      %eq3A_229 = arith.constant 19 : i32
      %eq3A_230 = vector.broadcast %eq3A_229 : i32 to vector<400x1024xi32>
      %eq3A_231 = arith.cmpi eq, %select_n3A_218, %eq3A_230 : vector<400x1024xi32>
      %select_n3A_232 = arith.select %eq3A_231, %get3A_195, %concatenate3A_224 : vector<400x1024xi1>, vector<400x1024xf32>
      %mul3A_233 = arith.constant 0.57611686 : f32
      %mul3A_234 = vector.broadcast %mul3A_233 : f32 to vector<400x1024xf32>
      %mul3A_235 = arith.mulf %mul3A_234, %get3A_195 : vector<400x1024xf32>
      %add3A_236 = arith.addf %select_n3A_228, %select_n3A_232 : vector<400x1024xf32>
      %mul3A_237 = arith.constant 0.211941555 : f32
      %mul3A_238 = vector.broadcast %mul3A_237 : f32 to vector<400x1024xf32>
      %mul3A_239 = arith.mulf %mul3A_238, %add3A_236 : vector<400x1024xf32>
      %add3A_240 = arith.addf %mul3A_235, %mul3A_239 : vector<400x1024xf32>
      %slice3A_241 = vector.extract_strided_slice %add3A_240 {offsets = [0, 0], sizes = [20, 1024], strides = [1, 1]} : vector<400x1024xf32> to vector<20x1024xf32>
      %slice3A_242 = vector.extract_strided_slice %add3A_240 {offsets = [0, 0], sizes = [380, 1024], strides = [1, 1]} : vector<400x1024xf32> to vector<380x1024xf32>
      %concatenate3A_243 = tpu.concatenate %slice3A_241, %slice3A_242 in 0 : vector<20x1024xf32>, vector<380x1024xf32> -> vector<400x1024xf32>
      %slice3A_244 = vector.extract_strided_slice %add3A_240 {offsets = [20, 0], sizes = [380, 1024], strides = [1, 1]} : vector<400x1024xf32> to vector<380x1024xf32>
      %slice3A_245 = vector.extract_strided_slice %add3A_240 {offsets = [380, 0], sizes = [20, 1024], strides = [1, 1]} : vector<400x1024xf32> to vector<20x1024xf32>
      %concatenate3A_246 = tpu.concatenate %slice3A_244, %slice3A_245 in 0 : vector<380x1024xf32>, vector<20x1024xf32> -> vector<400x1024xf32>
      %mul3A_247 = arith.constant 0.57611686 : f32
      %mul3A_248 = vector.broadcast %mul3A_247 : f32 to vector<400x1024xf32>
      %mul3A_249 = arith.mulf %mul3A_248, %add3A_240 : vector<400x1024xf32>
      %add3A_250 = arith.addf %concatenate3A_243, %concatenate3A_246 : vector<400x1024xf32>
      %mul3A_251 = arith.constant 0.211941555 : f32
      %mul3A_252 = vector.broadcast %mul3A_251 : f32 to vector<400x1024xf32>
      %mul3A_253 = arith.mulf %mul3A_252, %add3A_250 : vector<400x1024xf32>
      %add3A_254 = arith.addf %mul3A_249, %mul3A_253 : vector<400x1024xf32>
      %slice3A_255 = vector.extract_strided_slice %add3A_254 {offsets = [0, 0], sizes = [400, 512], strides = [1, 1]} : vector<400x1024xf32> to vector<400x512xf32>
      %slice3A_256 = vector.extract_strided_slice %add3A_254 {offsets = [0, 512], sizes = [400, 512], strides = [1, 1]} : vector<400x1024xf32> to vector<400x512xf32>
      %bitcast_convert_type3A_257 = tpu.bitcast %slice3A_255 : vector<400x512xf32> -> vector<400x512xi32>
      %bitcast_convert_type3A_258 = tpu.bitcast %slice3A_256 : vector<400x512xf32> -> vector<400x512xi32>
      %add3A_259 = arith.constant 32767 : i32
      %add3A_260 = vector.broadcast %add3A_259 : i32 to vector<400x512xi32>
      %add3A_261 = arith.addi %bitcast_convert_type3A_257, %add3A_260 : vector<400x512xi32>
      %shift_right_logical3A_262 = arith.constant 16 : i32
      %shift_right_logical3A_263 = vector.broadcast %shift_right_logical3A_262 : i32 to vector<400x512xi32>
      %shift_right_logical3A_264 = arith.shrui %bitcast_convert_type3A_257, %shift_right_logical3A_263 : vector<400x512xi32>
      %and3A_265 = arith.constant 1 : i32
      %and3A_266 = vector.broadcast %and3A_265 : i32 to vector<400x512xi32>
      %and3A_267 = arith.andi %shift_right_logical3A_264, %and3A_266 : vector<400x512xi32>
      %add3A_268 = arith.addi %add3A_261, %and3A_267 : vector<400x512xi32>
      %shift_right_logical3A_269 = arith.constant 16 : i32
      %shift_right_logical3A_270 = vector.broadcast %shift_right_logical3A_269 : i32 to vector<400x512xi32>
      %shift_right_logical3A_271 = arith.shrui %add3A_268, %shift_right_logical3A_270 : vector<400x512xi32>
      %add3A_272 = arith.constant 32767 : i32
      %add3A_273 = vector.broadcast %add3A_272 : i32 to vector<400x512xi32>
      %add3A_274 = arith.addi %bitcast_convert_type3A_258, %add3A_273 : vector<400x512xi32>
      %shift_right_logical3A_275 = arith.constant 16 : i32
      %shift_right_logical3A_276 = vector.broadcast %shift_right_logical3A_275 : i32 to vector<400x512xi32>
      %shift_right_logical3A_277 = arith.shrui %bitcast_convert_type3A_258, %shift_right_logical3A_276 : vector<400x512xi32>
      %and3A_278 = arith.constant 1 : i32
      %and3A_279 = vector.broadcast %and3A_278 : i32 to vector<400x512xi32>
      %and3A_280 = arith.andi %shift_right_logical3A_277, %and3A_279 : vector<400x512xi32>
      %add3A_281 = arith.addi %add3A_274, %and3A_280 : vector<400x512xi32>
      %shift_right_logical3A_282 = arith.constant 16 : i32
      %shift_right_logical3A_283 = vector.broadcast %shift_right_logical3A_282 : i32 to vector<400x512xi32>
      %shift_right_logical3A_284 = arith.shrui %add3A_281, %shift_right_logical3A_283 : vector<400x512xi32>
      %shift_left3A_285 = arith.constant 16 : i32
      %shift_left3A_286 = vector.broadcast %shift_left3A_285 : i32 to vector<400x512xi32>
      %shift_left3A_287 = arith.shli %shift_right_logical3A_284, %shift_left3A_286 : vector<400x512xi32>
      %or3A_288 = arith.ori %shift_right_logical3A_271, %shift_left3A_287 : vector<400x512xi32>
      %bitcast_convert_type3A_289 = tpu.bitcast %or3A_288 : vector<400x512xi32> -> vector<400x512xi32>
      %swap3A_290 = arith.constant 0 : index
      %swap3A_291 = arith.constant 0 : index
      %swap3A_292 = vector.load %arg10[%swap3A_290, %swap3A_291] : memref<400x512xi32, #tpu.memory_space<vmem>>, vector<400x512xi32>
      tpu.vector_store %arg10[%swap3A_290, %swap3A_291], %bitcast_convert_type3A_289 {strides = array<i32>} : memref<400x512xi32, #tpu.memory_space<vmem>>, vector<400x512xi32>,
    } else {
    }
    return
  }
  func.func @transform_0(%arg0: i32) -> (i32, i32) {
    %c0_i32 = arith.constant 0 : i32
    %c0_i32_0 = arith.constant 0 : i32
    return %arg0, %c0_i32 : i32, i32
  }
  func.func @transform_1(%arg0: i32) -> (i32, i32) {
    %mul3A = arith.constant 20 : i32
    %mul3A_0 = arith.muli %arg0, %mul3A : i32
    %sub3A = arith.constant 1 : i32
    %sub3A_1 = arith.subi %mul3A_0, %sub3A : i32
    %max3A = arith.constant 0 : i32
    %max3A_2 = arith.maxsi %sub3A_1, %max3A : i32
    %c0_i32 = arith.constant 0 : i32
    %c0_i32_3 = arith.constant 0 : i32
    return %max3A_2, %c0_i32 : i32, i32
  }
  func.func @transform_2(%arg0: i32) -> (i32, i32) {
    %mul3A = arith.constant 20 : i32
    %mul3A_0 = arith.muli %arg0, %mul3A : i32
    %add3A = arith.constant 20 : i32
    %add3A_1 = arith.addi %mul3A_0, %add3A : i32
    %min3A = arith.constant 79 : i32
    %min3A_2 = arith.minsi %add3A_1, %min3A : i32
    %c0_i32 = arith.constant 0 : i32
    %c0_i32_3 = arith.constant 0 : i32
    return %min3A_2, %c0_i32 : i32, i32
  }
  func.func @transform_3(%arg0: i32) -> (i32, i32) {
    %c0_i32 = arith.constant 0 : i32
    %c0_i32_0 = arith.constant 0 : i32
    return %arg0, %c0_i32 : i32, i32
  }
  func.func @transform_4(%arg0: i32) -> (i32, i32) {
    %mul3A = arith.constant 10 : i32
    %mul3A_0 = arith.muli %arg0, %mul3A : i32
    %sub3A = arith.constant 1 : i32
    %sub3A_1 = arith.subi %mul3A_0, %sub3A : i32
    %max3A = arith.constant 0 : i32
    %max3A_2 = arith.maxsi %sub3A_1, %max3A : i32
    %c0_i32 = arith.constant 0 : i32
    %c0_i32_3 = arith.constant 0 : i32
    return %max3A_2, %c0_i32 : i32, i32
  }
  func.func @transform_5(%arg0: i32) -> (i32, i32) {
    %mul3A = arith.constant 10 : i32
    %mul3A_0 = arith.muli %arg0, %mul3A : i32
    %add3A = arith.constant 10 : i32
    %add3A_1 = arith.addi %mul3A_0, %add3A : i32
    %min3A = arith.constant 39 : i32
    %min3A_2 = arith.minsi %add3A_1, %min3A : i32
    %c0_i32 = arith.constant 0 : i32
    %c0_i32_3 = arith.constant 0 : i32
    return %min3A_2, %c0_i32 : i32, i32
  }
  func.func @transform_6(%arg0: i32) -> (i32, i32) {
    %c0_i32 = arith.constant 0 : i32
    %c0_i32_0 = arith.constant 0 : i32
    %c0_i32_1 = arith.constant 0 : i32
    return %c0_i32, %c0_i32_0 : i32, i32
  }
  func.func @transform_7(%arg0: i32) -> (i32, i32) {
    %c0_i32 = arith.constant 0 : i32
    %c0_i32_0 = arith.constant 0 : i32
    return %arg0, %c0_i32 : i32, i32
  }
  func.func @transform_8(%arg0: i32) -> (i32, i32) {
    %c0_i32 = arith.constant 0 : i32
    %c0_i32_0 = arith.constant 0 : i32
    return %arg0, %c0_i32 : i32, i32
  }
  func.func @transform_9(%arg0: i32) -> (i32, i32) {
    %c0_i32 = arith.constant 0 : i32
    %c0_i32_0 = arith.constant 0 : i32
    %c0_i32_1 = arith.constant 0 : i32
    return %c0_i32, %c0_i32_0 : i32, i32
  }
}

</mosaic_0001>

<sc_bundles>
// kernel: kernel.5.cloned.1.call-start
scs
__scs_entry_jumppad:
0x0: {  	(pc) =	sbr.rel $0x88, $3  }
0x1: {  	(tag) =	ssettag $0x0;
	lr =	simm.s32 $0x1  }
0x2: {  	[smem:$0x3F99] =	sst lr;
	_ =	strace $0xD0000000  }
0x3: {  	_ = 	snop  }
0x4: {  	_ = 	snop  }
0x5: {  	_ = 	snop  }
0x6: {  	_ = 	snop  }
0x7: {  	_ = 	snop  }
__scs_overlays_trampoline_lowered:
0x8: {  	[smem:$0x3FA8] =	sst s0  }
0x9: {  	[smem:$0x3FA9] =	sst s1  }
0xa: {  	[smem:$0x3FAA] =	sst s2  }
0xb: {  	[smem:$0x3FAB] =	sst s3  }
0xc: {  	[smem:$0x3FAC] =	sst s4  }
0xd: {  	[smem:$0x3FAD] =	sst s5  }
0xe: {  	[smem:$0x3FAE] =	sst s6  }
0xf: {  	[smem:$0x3FAF] =	sst s7  }
0x10: {  	[smem:$0x3FB0] =	sst s8  }
0x11: {  	[smem:$0x3FB1] =	sst s9;
	s0 =	simm.s32 @!p0 $0x0  }
0x12: {  	s1 =	sld [smem:$0x3F97];
	s0 =	simm.s32 @p0 $0x1  }
0x13: {  	[smem:$0x3FB2] =	sst s0;
	s0 =	simm.s32 @!p1 $0x0  }
0x14: {  	s2 =	sld [smem:$0x3F96];
	s0 =	simm.s32 @p1 $0x1  }
0x15: {  	[smem:$0x3FB3] =	sst s0;
	s0 =	simm.s32 @!p2 $0x0  }
0x16: {  	s3 =	sld [smem:$0x3FDB];
	s0 =	simm.s32 @p2 $0x1  }
0x17: {  	s4 =	simm.s32 $0x1BF5;
	[smem:$0x3FB5] =	sst s0  }
0x18: {  	s0 =	sld [smem:$0x3F98];
	_ =	swait.ge [sflag:s4], $0x0  }
0x19: {  	s7 =	sld [smem:$0x3F99]  }
0x1a: {  	s8 =	sadd.s32 $0xFFFFE003, lr  }
0x1b: {  	s9 =	sadd.s32 $0xFFFFFEF7, lr;
	s5 =	simm.s32 $0xFFFFFFFF;
	p2 =	slt.u32 s8, $0xFFFFF086  }
0x1c: {  	p1 =	slt.u32 s9, $0xF7A;
	s5 =	simm.s32 @!p2 $0x0  }
0x1d: {  	s5 =	simm.s32 @p1 $0x1;
	p0 =	seq.s32 s7, s2  }
0x1e: {  	s7 =	smul.u32 @!p0 $0xF7A, s2;
	p2 =	seq.s32 @!p0 s5, $0x0  }
0x1f: {  	s9 =	smul.u32 $0xF7A, s1;
	s8 =	simm.s32 @!p0 $0x1BF5;
	p2 =	por !p2, p0  }
0x20: {  	[sflag:s8] =	ssyncset.s32 @!p0 $0xFFFFF086;
	s6 =	sadd.s32 @!p0 s3, s7;
	s7 =	simm.s32 @!p0 $0x108  }
0x21: {  	s3 =	sadd.s32 s3, s9;
	s6 =	sadd.s32 @!p0 $0x88, s6;
	s7 =	simm.s32 @p2 $0x1082  }
0x22: {  	[simem:s7], [sflag:s8] =	dma.local @!p0 [hbm:s6], $0xF7A  }
0x23: {  	s9 =	sor.u32 $0xD0000000, s2;
	s6 =	simm.s32 $0x108;
	_ =	swait.ge @!p0 [sflag:s8], $0x0  }
0x24: {  	s3 =	sadd.s32 $0x88, s3;
	s6 =	simm.s32 @!p1 $0x1082;
	[sflag:s4] =	ssyncset.s32 $0xFFFFF086  }
0x25: {  	[simem:s6], [sflag:s4] =	dma.local [hbm:s3], $0xF7A  }
0x26: {  	[smem:$0x3F99] =	sst s1;
	(tag) =	ssettag s2;
	_ =	strace s9  }
0x27: {  	s1 =	sld [smem:$0x3FA9]  }
0x28: {  	s2 =	sld [smem:$0x3FAA]  }
0x29: {  	s4 =	sld [smem:$0x3FAC]  }
0x2a: {  	p0 =	seq.s32 s5, $0x0;
	s5 =	sld [smem:$0x3FAD]  }
0x2b: {  	s6 =	sld [smem:$0x3FAE]  }
0x2c: {  	s7 =	sld [smem:$0x3FAF]  }
0x2d: {  	s3 =	simm.s32 $0x108;
	s8 =	sld [smem:$0x3FB0]  }
0x2e: {  	s3 =	simm.s32 @!p0 $0x1082;
	s9 =	sld [smem:$0x3FB1]  }
0x2f: {  	lr =	sadd.s32 s0, s3;
	s0 =	sld [smem:$0x3FA8]  }
0x30: {  	s3 =	sld [smem:$0x3FAB]  }
0x31: {  	[smem:$0x3FB4] =	sst s10  }
0x32: {  	s10 =	sld [smem:$0x3FB2];
	_ =	sdelay $0x3  }
0x33: {  	p0 =	seq.s32 s10, $0x1;
	s10 =	sld [smem:$0x3FB4];
	_ =	sdelay $0x3  }
0x34: {  	[smem:$0x3FB4] =	sst s10  }
0x35: {  	s10 =	sld [smem:$0x3FB3];
	_ =	sdelay $0x3  }
0x36: {  	p1 =	seq.s32 s10, $0x1;
	s10 =	sld [smem:$0x3FB4];
	_ =	sdelay $0x3  }
0x37: {  	[smem:$0x3FB4] =	sst s10  }
0x38: {  	s10 =	sld [smem:$0x3FB5]  }
0x39: {  	_ = 	snop;
	(pc) =	sbr.ind lr, $3  }
0x3a: {  	_ = 	snop  }
0x3b: {  	_ = 	snop  }
0x3c: {  	p2 =	seq.s32 s10, $0x1;
	s10 =	sld [smem:$0x3FB4]  }
0x3d: {  	_ =	shalt  }
0x3e: {  	_ =	shalt  }
0x3f: {  	_ =	shalt  }
0x40: {  	_ =	shalt  }
0x41: {  	_ =	shalt  }
0x42: {  	_ =	shalt  }
0x43: {  	_ =	shalt  }
0x44: {  	_ =	shalt  }
0x45: {  	_ =	shalt  }
0x46: {  	_ =	shalt  }
0x47: {  	_ =	shalt  }
0x48: {  	_ =	shalt  }
0x49: {  	_ =	shalt  }
0x4a: {  	_ =	shalt  }
0x4b: {  	_ =	shalt  }
0x4c: {  	_ =	shalt  }
0x4d: {  	_ =	shalt  }
0x4e: {  	_ =	shalt  }
0x4f: {  	_ =	shalt  }
0x50: {  	_ =	shalt  }
0x51: {  	_ =	shalt  }
0x52: {  	_ =	shalt  }
0x53: {  	_ =	shalt  }
0x54: {  	_ =	shalt  }
0x55: {  	_ =	shalt  }
0x56: {  	_ =	shalt  }
0x57: {  	_ =	shalt  }
0x58: {  	_ =	shalt  }
0x59: {  	_ =	shalt  }
0x5a: {  	_ =	shalt  }
0x5b: {  	_ =	shalt  }
0x5c: {  	_ =	shalt  }
0x5d: {  	_ =	shalt  }
0x5e: {  	_ =	shalt  }
0x5f: {  	_ =	shalt  }
0x60: {  	_ =	shalt  }
0x61: {  	_ =	shalt  }
0x62: {  	_ =	shalt  }
0x63: {  	_ =	shalt  }
0x64: {  	_ =	shalt  }
0x65: {  	_ =	shalt  }
0x66: {  	_ =	shalt  }
0x67: {  	_ =	shalt  }
0x68: {  	_ =	shalt  }
0x69: {  	_ =	shalt  }
0x6a: {  	_ =	shalt  }
0x6b: {  	_ =	shalt  }
0x6c: {  	_ =	shalt  }
0x6d: {  	_ =	shalt  }
0x6e: {  	_ =	shalt  }
0x6f: {  	_ =	shalt  }
0x70: {  	_ =	shalt  }
0x71: {  	_ =	shalt  }
0x72: {  	_ =	shalt  }
0x73: {  	_ =	shalt  }
0x74: {  	_ =	shalt  }
0x75: {  	_ =	shalt  }
0x76: {  	_ =	shalt  }
0x77: {  	_ =	shalt  }
0x78: {  	_ =	shalt  }
0x79: {  	_ =	shalt  }
0x7a: {  	_ =	shalt  }
0x7b: {  	_ =	shalt  }
0x7c: {  	_ =	shalt  }
0x7d: {  	_ =	shalt  }
0x7e: {  	_ =	shalt  }
0x7f: {  	_ =	shalt  }
0x80: {  	_ =	shalt  }
0x81: {  	_ =	shalt  }
0x82: {  	_ =	shalt  }
0x83: {  	_ =	shalt  }
0x84: {  	_ =	shalt  }
0x85: {  	_ =	shalt  }
0x86: {  	_ =	shalt  }
0x87: {  	_ =	shalt  }
.Lfunc_end0:
.L_simem_size_0:
called_computation_lowered:
.L_overlay_start_0:
0x88: {  	s2 =	sld [smem:$0x3FD9]  }
0x89: {  	s3 =	sld [smem:$0x3FFE];
	_ =	sdelay $0x1  }
0x8a: {  	s1 =	srdreg.scid  }
0x8b: {  	s0 =	sand.u32 $0x1, s1  }
0x8c: {  	s17 =	sshll.u32 s0, $0xA;
	s2 =	sadd.s32 s3, s2  }
0x8d: {  	s2 =	sadd.s32 s2, s17  }
0x8e: {  	[smem:$0x3FC0] =	sst s2  }
0x8f: {  	_ = 	snop  }
0x90: {  	s2 =	sld [smem:$0x3FC6]  }
0x91: {  	s18 =	sld [smem:$0x3FD0];
	(tm) =	ssettm $0x1  }
0x92: {  	s4 =	sld [smem:$0x3FFB];
	_ =	sdelay $0x3  }
0x93: {  	_ =	strace s4  }
0x94: {  	s4 =	sld [smem:$0x3FFC];
	_ =	sdelay $0x3  }
0x95: {  	_ =	strace s4  }
0x96: {  	s4 =	sld [smem:$0x3FFD];
	_ =	sdelay $0x3  }
0x97: {  	_ =	strace s4  }
0x98: {  	_ =	strace $0x8FFFFFFF  }
0x99: {  	s19 =	sld [smem:$0x3FDB];
	_ =	sdelay $0x1  }
0x9a: {  	s5 =	simm.s32 $_scs_section_size  }
0x9b: {  	s6 =	simm.s32 $_size__tile_overlayer_lowered;
	s7 =	simm.s32 $_tile_overlayer_lowered  }
0x9c: {  	s22 =	simm.s32 $0x1BFF;
	s21 =	sshll.u32 s7, $0x1;
	s4 =	sadd.s32 s5, s19  }
0x9d: {  	s8 =	simm.s32 $0x0;
	s20 =	sshll.u32 s6, $0x1;
	s6 =	sadd.s32 s21, s4  }
0x9e: {  	[timem:s8], [sflag:s22] =	dma.local [hbm:s6], s20  }
0x9f: {  	_ =	swait.ge [sflag:s22], s20  }
0xa0: {  	s5 =	ssub.s32 $0x0, s20;
	[sflag:s22] =	ssyncset.done $0x0  }
0xa1: {  	[sflag:s22] =	ssyncadd.s32 s5;
	_ =	sdelay $0x1  }
0xa2: {  	s23 =	simm.s32 $0x1B8B  }
0xa3: {  	_ =	swait.ge [sflag:s23], $0x1  }
0xa4: {  	[sflag:s23] =	ssyncset.done $0x0  }
0xa5: {  	s25 =	simm.s32 $0x1B8E;
	s24 =	sld [smem:$0x3FFE];
	[sflag:s23] =	ssyncadd.s32 $0xFFFFFFFF  }
0xa6: {  	s26 =	simm.s32 $execute0_lowered;
	[smem:$0x3FD2] =	sst s25  }
0xa7: {  	s6 =	sshll.u32 s26, $0x1;
	_ =	strace $0x80000046;
	[dreg:$0x1] =	wrdreg $0xFFFFFFFF  }
0xa8: {  	s28 =	simm.s32 $_size_execute0_lowered;
	s4 =	sadd.s32 s4, s6;
	[dreg:$0x0] =	wrdreg $0x0  }
0xa9: {  	s6 =	sshll.u32 s28, $0x1;
	[dreg:$0x2] =	wrdreg s4  }
0xaa: {  	[dreg:$0x3] =	wrdreg s6  }
0xab: {  	[dreg:$0x4] =	wrdreg $0xC0  }
0xac: {  	_ =	task [dreg:s8], $0x5FFFF  }
0xad: {  	[dreg:$0x1] =	wrdreg $0xFFFFFFFF  }
0xae: {  	[dreg:$0x0] =	wrdreg $0x60  }
0xaf: {  	[dreg:$0x2] =	wrdreg s24  }
0xb0: {  	[dreg:$0x3] =	wrdreg s2  }
0xb1: {  	[dreg:$0x4] =	wrdreg s18  }
0xb2: {  	[dreg:$0x5] =	wrdreg $0x9  }
0xb3: {  	_ =	task.clear_ibuf [dreg:s8], $0x6FFFF;
	_ =	strace $0x90000046  }
0xb4: {  	s29 =	simm.s32 $0x9;
	_ =	strace $0x80000048  }
0xb5: {  	_ =	swait.ge [sflag:s29], $0x1  }
0xb6: {  	[sflag:s29] =	ssyncadd.s32 $0xFFFFFFFF  }
0xb7: {  	_ =	strace $0x90000048  }
0xb8: {  	_ =	sfence  }
0xb9: {  	s30 =	sld [smem:$0x0];
	_ =	sdelay $0x2  }
0xba: {  	s31 =	sshll.u32 s1, $0xD;
	s1 =	sshrl.u32 s1, $0x2  }
0xbb: {  	s3 =	sand.u32 $0x4000, s31;
	s1 =	sadd.s32 s1, s30  }
0xbc: {  	s0 =	sor.u32 s3, s0;
	s1 =	sshll.u32 s1, $0x11  }
0xbd: {  	s0 =	sor.u32 s1, s0  }
0xbe: {  	s0 =	sadd.s32 $0x8F2B, s0  }
0xbf: {  	[sflag:s0] =	ssyncadd.remote.s32 $0x1  }
0xc0: {  	_ =	sfence.sel $0xFFFF  }
0xc1: {  	[dreg:$0x0] =	wrdreg $0xFFFFFFFF;
	(pc) =	sbr.abs _section_cstart, $3  }
0xc2: {  	[dreg:$0x1] =	wrdreg $0xFFFFFFFF  }
0xc3: {  	_ =	task.clear_ibuf [dreg:s8], $0x2FFFF;
	_ =	strace $0x9FFFFFFF  }
0xc4: {  	(tm) =	ssettm $0x7FFFFFFF  }
0xc5: {  	_ =	shalt  }
tec
execute0_lowered:
.L_overlay_start_1:
0x0: {  	(tag) =	ssettag $0x1  }
0x1: {  	s0 =	rddreg [dreg:$0x0]  }
0x2: {  	s5 =	rddreg [dreg:$0x1]  }
0x3: {  	s6 =	rddreg [dreg:$0x2]  }
0x4: {  	s2 =	simm.s32 $0x0;
	s3 =	srdreg.scid;
	s1 =	stileid.u32  }
0x5: {  	s23 =	simm.s32 $0x40;
	s24 =	simm.s32 $0x80;
	s25 =	simm.s32 $0x2A00  }
0x6: {  	s26 =	simm.s32 $0x3200;
	s12 =	simm.s32 $0x4A00;
	s13 =	simm.s32 $0x5200  }
0x7: {  	s14 =	simm.s32 $0x5A00;
	s15 =	simm.s32 $0x6200;
	s16 =	simm.s32 $0x6A00  }
0x8: {  	s17 =	simm.s32 $0x7200;
	s18 =	simm.s32 $0x7A00;
	s28 =	simm.s32 $0xC200  }
0x9: {  	s29 =	simm.s32 $0xCA00;
	[smem:$0x7FF] =	sst s2;
	s19 =	sadd.s32 $0x1C00, s0  }
0xa: {  	s30 =	simm.s32 $0xD200;
	_ =	strace $0x80000047;
	[dreg:$0x4] =	wrdreg s19  }
0xb: {  	s31 =	simm.s32 $0xDA00;
	s7 =	sand.u32 $0x1, s3;
	[dreg:$0x9] =	wrdreg s23  }
0xc: {  	s4 =	sshll.u32 s1, $0x7;
	s3 =	sadd.s32 $0x1AC00, s0;
	[dreg:$0xa] =	wrdreg s24  }
0xd: {  	s8 =	sshll.u32 s7, $0x6;
	s7 =	ssub.s32 $0x2, s7;
	[dreg:$0xb] =	wrdreg s25  }
0xe: {  	[dreg:$0xc] =	wrdreg s26;
	s19 =	simm.s32 $0x8200;
	s23 =	simm.s32 $0xA200  }
0xf: {  	s24 =	simm.s32 $0xAA00;
	s25 =	simm.s32 $0xB200;
	s26 =	simm.s32 $0xBA00  }
0x10: {  	s8 =	sor.u32 s8, s4;
	s4 =	sadd.s32 $0x27400, s0;
	s20 =	sshrl.u32 s7, $0x1  }
0x11: {  	s9 =	sshll.u32 s8, $0x4;
	s10 =	sshll.u32 s8, $0x5;
	s11 =	sshrl.u32 s8, $0x3  }
0x12: {  	s8 =	sshll.u32 s8, $0x6;
	s7 =	ssub.s32 s7, s20;
	s20 =	simm.s32 $0x8A00  }
0x13: {  	s9 =	sadd.s32 s9, s0;
	s10 =	sadd.s32 s10, s0;
	s5 =	sadd.s32 s5, s11  }
0x14: {  	s6 =	sadd.s32 s6, s8;
	s8 =	simm.s32 $0x200;
	[dreg:$0x5] =	wrdreg s5  }
0x15: {  	v0 =	vimm.f32 $1.250000020e-02;
	s21 =	sadd.s32 $0x3D800, s9;
	s22 =	sadd.s32 $0x2D800, s10;
	s5 =	sadd.s32 $0x27500, s0  }
0x16: {  	v1 =	vimm.s32 $0x0;
	v2 =	vimm.s32 $0x7FFFFFB0;
	v6 =	vlaneseq.u32;
	[dreg:$0x8] =	wrdreg s6;
	s6 =	smax.u32 s7, $0x1;
	s7 =	simm.s32 $0x2  }
0x17: {  	v3 =	vimm.f32 $6.250000090e-03;
	vm0 =	vmmov $0xffff;
	v5 =	vshrl.u32 v6, $0x3;
	s9 =	simm.s32 $0x2200;
	s0 =	simm.s32 $0x1;
	[dreg:$0x6] =	wrdreg s21  }
0x18: {  	v4 =	vand.u32 $0x7, v6;
	v6 =	vor.u32 $0x8, v6;
	v5 =	vmul.u32 $0x8, v5;
	[dreg:$0x7] =	wrdreg s22;
	s21 =	simm.s32 $0x9200;
	s22 =	simm.s32 $0x9A00  }
.LBB2_1:
0x19: {  	s1 =	rddreg [dreg:$0x5]  }
0x1a: {  	[tilespmem:s2], [sflag:$0x2] =	stream.linear.gather [hbm4b:s1+s2], $0x40, $0x38;
	[tilespmem:$0xE200] =	vst v63  }
0x1b: {  	_ =	swait.ge [sflag:s7], $0x40  }
0x1c: {  	[sflag:s7] =	ssyncset.done $0x0  }
0x1d: {  	[sflag:s7] =	ssyncadd.s32 $0xFFFFFFC0  }
0x1e: {  	v7 =	vld [tilespmem:$0x0];
	_ =	sdelay $0x4  }
0x1f: {  	vm4 =	vgt.s32 v7, $0x18FF  }
0x20: {  	vm1 =	vgt.s32 v7, $0x1F3F;
	v8 =	vsel vm4, $0xFFFFE700, v1  }
0x21: {  	v8 =	vsel vm1, $0xFFFFE0C0, v8  }
0x22: {  	v7 =	vadd.s32 v7, v8  }
0x23: {  	v8 =	vcvt.s32.f32 v7;
	_ =	sdelay $0x1  }
0x24: {  	v9 =	vsel vm4, $0x3CCCCCCD, v0;
	v8 =	vadd.f32 $5.000000000e-01, v8  }
0x25: {  	v9 =	vsel vm1, $0x3D4CCCCD, v9  }
0x26: {  	v8 =	vmul.f32 v8, v9  }
0x27: {  	v10 =	vld [tilespmem:$0x10]  }
0x28: {  	v8 =	vtrunc.f32 v8  }
0x29: {  	v44 =	vsel vm4, $0x7FFFFFD8, v2;
	v8 =	vcvt.f32.s32 v8  }
0x2a: {  	v48 =	vld [tilespmem:$0x20];
	v9 =	vsel vm1, $0x7FFFFFEC, v44  }
0x2b: {  	v9 =	vmul.u32 v8, v9  }
0x2c: {  	vm2 =	vgt.s32 v10, $0x18FF;
	vm3 =	vgt.s32 v10, $0x1F3F  }
0x2d: {  	v45 =	vsel vm2, $0xFFFFE700, v1;
	v16 =	vsel vm2, $0x3CCCCCCD, v0;
	v7 =	vadd.s32 v7, v9  }
0x2e: {  	v51 =	vsel vm2, $0x7FFFFFD8, v2;
	v18 =	vsel vm2, $0x3C4CCCCD, v3;
	v7 =	vshll.u32 v7, $0x1  }
0x2f: {  	vm2 =	vgt.s32 v48, $0x1F3F;
	v16 =	vsel vm3, $0x3D4CCCCD, v16;
	v11 =	vor.u32 $0x1, v7  }
0x30: {  	v18 =	vsel vm3, $0x3CCCCCCD, v18;
	v7 =	vshll.u32 v8, $0x1;
	v8 =	vmul.u32 $0x50, v11  }
0x31: {  	v12 =	vor.u32 $0x1, v7;
	v7 =	vsel vm3, $0xFFFFE0C0, v45;
	v47 =	vmul.u32 $0x28, v11  }
0x32: {  	v11 =	vmul.u32 $0x14, v11;
	v46 =	vmul.u32 $0x50, v12;
	v13 =	vadd.s32 v10, v7  }
0x33: {  	v7 =	vsel vm4, $0x3C4CCCCD, v3;
	v15 =	vmul.u32 $0x28, v12;
	v8 =	vcvt.s32.f32 v8  }
0x34: {  	v23 =	vld [tilespmem:$0x30];
	v12 =	vmul.u32 $0x14, v12;
	v14 =	vcvt.s32.f32 v13;
	v10 =	vcvt.s32.f32 v47  }
0x35: {  	v17 =	vsel vm1, $0x3CCCCCCD, v7;
	vm1 =	vgt.s32 v48, $0x18FF;
	v11 =	vcvt.s32.f32 v11  }
0x36: {  	v9 =	vcvt.s32.f32 v46;
	v15 =	vcvt.s32.f32 v15;
	v19 =	vsel vm1, $0xFFFFE700, v1  }
0x37: {  	v12 =	vcvt.s32.f32 v12;
	v20 =	vsel vm1, $0x3CCCCCCD, v0;
	v58 =	vsel vm1, $0x7FFFFFD8, v2  }
0x38: {  	v59 =	vsel vm1, $0x3C4CCCCD, v3;
	v8 =	vadd.f32 $5.000000000e-01, v8;
	v14 =	vadd.f32 $5.000000000e-01, v14  }
0x39: {  	vm1 =	vgt.s32 v23, $0x18FF;
	v7 =	vadd.f32 $5.000000000e-01, v10;
	v11 =	vadd.f32 $5.000000000e-01, v11  }
0x3a: {  	v9 =	vadd.f32 $5.000000000e-01, v9;
	v15 =	vadd.f32 $5.000000000e-01, v15;
	v14 =	vmul.f32 v14, v16  }
0x3b: {  	v12 =	vadd.f32 $5.000000000e-01, v12;
	v8 =	vmul.f32 v8, v17;
	v50 =	vmul.f32 v7, v17  }
0x3c: {  	v52 =	vsel vm2, $0xFFFFE0C0, v19;
	v11 =	vmul.f32 v11, v17;
	v49 =	vmul.f32 v9, v17  }
0x3d: {  	v20 =	vsel vm2, $0x3D4CCCCD, v20;
	v7 =	vmul.f32 v15, v17;
	v12 =	vmul.f32 v12, v17  }
0x3e: {  	v24 =	vsel vm1, $0xFFFFE700, v1;
	v14 =	vtrunc.f32 v14;
	v8 =	vtrunc.f32 v8  }
0x3f: {  	v27 =	vsel vm1, $0x3CCCCCCD, v0;
	v9 =	vtrunc.f32 v50;
	v35 =	vtrunc.f32 v11  }
0x40: {  	v63 =	vsel vm1, $0x7FFFFFD8, v2;
	v14 =	vcvt.f32.s32 v14;
	v10 =	vtrunc.f32 v49  }
0x41: {  	v29 =	vsel vm1, $0x3C4CCCCD, v3;
	v8 =	vcvt.f32.s32 v8;
	v7 =	vtrunc.f32 v7  }
0x42: {  	v15 =	vsel vm3, $0x7FFFFFEC, v51;
	v12 =	vtrunc.f32 v12;
	v10 =	vcvt.f32.s32 v10  }
0x43: {  	v7 =	vcvt.f32.s32 v7;
	v15 =	vmul.u32 v14, v15;
	v14 =	vshll.u32 v14, $0x1  }
0x44: {  	v9 =	vcvt.f32.s32 v9;
	v36 =	vcvt.f32.s32 v12;
	v14 =	vor.u32 $0x1, v14  }
0x45: {  	v10 =	vmul.u32 $0x50, v10;
	v7 =	vmul.u32 $0x28, v7;
	v13 =	vadd.s32 v13, v15  }
0x46: {  	v15 =	vadd.s32 v48, v52;
	v21 =	vmul.u32 $0x50, v14;
	v56 =	vmul.u32 $0x28, v14  }
0x47: {  	v14 =	vmul.u32 $0x14, v14;
	v13 =	vshll.u32 v13, $0x1;
	v16 =	vcvt.s32.f32 v15  }
0x48: {  	v8 =	vadd.s32 v8, v10;
	v10 =	vcvt.f32.s32 v35;
	v13 =	vor.u32 $0x1, v13  }
0x49: {  	v14 =	vcvt.s32.f32 v14;
	v53 =	vmul.u32 $0x50, v13;
	v16 =	vadd.f32 $5.000000000e-01, v16  }
0x4a: {  	v55 =	vcvt.s32.f32 v21;
	v22 =	vmul.u32 $0x28, v13;
	v13 =	vmul.u32 $0x14, v13  }
0x4b: {  	v14 =	vadd.f32 $5.000000000e-01, v14;
	v19 =	vcvt.s32.f32 v53;
	v16 =	vmul.f32 v16, v20  }
0x4c: {  	v11 =	vmul.u32 $0x14, v36;
	v57 =	vcvt.s32.f32 v22;
	v20 =	vcvt.s32.f32 v56  }
0x4d: {  	v7 =	vadd.s32 v9, v7;
	v13 =	vcvt.s32.f32 v13;
	v14 =	vmul.f32 v14, v18  }
0x4e: {  	v54 =	vadd.f32 $5.000000000e-01, v19;
	v16 =	vtrunc.f32 v16;
	v19 =	vadd.f32 $5.000000000e-01, v55  }
0x4f: {  	v21 =	vadd.f32 $5.000000000e-01, v57;
	v20 =	vadd.f32 $5.000000000e-01, v20;
	v16 =	vcvt.f32.s32 v16  }
0x50: {  	v13 =	vadd.f32 $5.000000000e-01, v13;
	v14 =	vtrunc.f32 v14;
	v17 =	vmul.f32 v54, v18  }
0x51: {  	v10 =	vadd.s32 v10, v11;
	v19 =	vmul.f32 v19, v18;
	v21 =	vmul.f32 v21, v18  }
0x52: {  	v22 =	vsel vm2, $0x7FFFFFEC, v58;
	v20 =	vmul.f32 v20, v18;
	v13 =	vmul.f32 v13, v18  }
0x53: {  	v42 =	vcvt.f32.s32 v14;
	v22 =	vmul.u32 v16, v22;
	v37 =	vtrunc.f32 v17  }
0x54: {  	v16 =	vshll.u32 v16, $0x1;
	v38 =	vtrunc.f32 v19;
	v40 =	vtrunc.f32 v20  }
0x55: {  	v16 =	vor.u32 $0x1, v16;
	v41 =	vtrunc.f32 v21;
	v13 =	vtrunc.f32 v13  }
0x56: {  	v15 =	vadd.s32 v15, v22;
	v22 =	vsel vm2, $0x3CCCCCCD, v59;
	vm2 =	vgt.s32 v23, $0x1F3F  }
0x57: {  	v60 =	vmul.u32 $0x50, v16;
	v28 =	vmul.u32 $0x28, v16;
	v12 =	vcvt.f32.s32 v37  }
0x58: {  	v16 =	vmul.u32 $0x14, v16;
	v39 =	vcvt.f32.s32 v38;
	v17 =	vcvt.f32.s32 v40  }
0x59: {  	v11 =	vcvt.f32.s32 v41;
	v13 =	vcvt.f32.s32 v13;
	v15 =	vshll.u32 v15, $0x1  }
0x5a: {  	v24 =	vsel vm2, $0xFFFFE0C0, v24;
	v27 =	vsel vm2, $0x3D4CCCCD, v27;
	v29 =	vsel vm2, $0x3CCCCCCD, v29  }
0x5b: {  	v15 =	vor.u32 $0x1, v15;
	v23 =	vadd.s32 v23, v24;
	v24 =	vcvt.s32.f32 v60  }
0x5c: {  	v28 =	vcvt.s32.f32 v28;
	v16 =	vcvt.s32.f32 v16;
	v9 =	vmul.u32 $0x50, v39  }
0x5d: {  	v17 =	vmul.u32 $0x28, v17;
	v25 =	vmul.u32 $0x50, v15;
	v26 =	vcvt.s32.f32 v23  }
0x5e: {  	v62 =	vmul.u32 $0x28, v15;
	v15 =	vmul.u32 $0x14, v15;
	v24 =	vadd.f32 $5.000000000e-01, v24  }
0x5f: {  	v32 =	vadd.f32 $5.000000000e-01, v28;
	v16 =	vadd.f32 $5.000000000e-01, v16;
	v25 =	vcvt.s32.f32 v25  }
0x60: {  	v9 =	vadd.s32 v12, v9;
	v26 =	vadd.f32 $5.000000000e-01, v26;
	v24 =	vmul.f32 v24, v22  }
0x61: {  	v15 =	vcvt.s32.f32 v15;
	v16 =	vmul.f32 v16, v22;
	v25 =	vadd.f32 $5.000000000e-01, v25  }
0x62: {  	v12 =	vmul.u32 $0x14, v42;
	v26 =	vmul.f32 v26, v27;
	v43 =	vtrunc.f32 v24  }
0x63: {  	v15 =	vadd.f32 $5.000000000e-01, v15;
	v48 =	vtrunc.f32 v16;
	v61 =	vmul.f32 v25, v22  }
0x64: {  	v11 =	vadd.s32 v11, v17;
	v26 =	vtrunc.f32 v26;
	v25 =	vcvt.s32.f32 v62  }
0x65: {  	[tilespmem:$0x80] =	vst v8;
	v8 =	vadd.s32 v13, v12;
	v15 =	vmul.f32 v15, v22;
	v14 =	vcvt.f32.s32 v43  }
0x66: {  	v27 =	vsel vm2, $0x7FFFFFEC, v63;
	v13 =	vcvt.f32.s32 v48;
	v26 =	vcvt.f32.s32 v26  }
0x67: {  	v25 =	vadd.f32 $5.000000000e-01, v25;
	v44 =	vtrunc.f32 v61;
	v14 =	vmul.u32 $0x50, v14  }
0x68: {  	v49 =	vtrunc.f32 v15;
	v27 =	vmul.u32 v26, v27;
	v26 =	vshll.u32 v26, $0x1  }
0x69: {  	v17 =	vcvt.f32.s32 v44;
	v51 =	vcvt.f32.s32 v49;
	v26 =	vor.u32 $0x1, v26  }
0x6a: {  	v25 =	vmul.f32 v25, v22;
	v23 =	vadd.s32 v23, v27;
	v34 =	vmul.u32 $0x50, v26  }
0x6b: {  	v27 =	vmul.f32 v32, v22;
	v31 =	vmul.u32 $0x28, v26;
	v26 =	vmul.u32 $0x14, v26  }
0x6c: {  	v23 =	vshll.u32 v23, $0x1;
	v45 =	vtrunc.f32 v25;
	v22 =	vcvt.s32.f32 v34  }
0x6d: {  	v23 =	vor.u32 $0x1, v23;
	v31 =	vcvt.s32.f32 v31;
	v26 =	vcvt.s32.f32 v26  }
0x6e: {  	v18 =	vcvt.f32.s32 v45;
	v46 =	vtrunc.f32 v27;
	v33 =	vmul.u32 $0x50, v23  }
0x6f: {  	v30 =	vmul.u32 $0x28, v23;
	v23 =	vmul.u32 $0x14, v23;
	v47 =	vcvt.f32.s32 v46  }
0x70: {  	v22 =	vadd.f32 $5.000000000e-01, v22;
	v31 =	vadd.f32 $5.000000000e-01, v31;
	v28 =	vcvt.s32.f32 v33  }
0x71: {  	v26 =	vadd.f32 $5.000000000e-01, v26;
	v30 =	vcvt.s32.f32 v30;
	v23 =	vcvt.s32.f32 v23  }
0x72: {  	v53 =	vmul.u32 $0x14, v13;
	v22 =	vmul.f32 v22, v29;
	v31 =	vmul.f32 v31, v29  }
0x73: {  	v26 =	vmul.f32 v26, v29;
	v28 =	vadd.f32 $5.000000000e-01, v28;
	v30 =	vadd.f32 $5.000000000e-01, v30  }
0x74: {  	[tilespmem:$0x100] =	vst v7;
	v23 =	vadd.f32 $5.000000000e-01, v23;
	v55 =	vtrunc.f32 v22;
	v57 =	vtrunc.f32 v31  }
0x75: {  	[tilespmem:$0x180] =	vst v10;
	v7 =	vadd.s32 v17, v14;
	v59 =	vtrunc.f32 v26;
	v28 =	vmul.f32 v28, v29  }
0x76: {  	[tilespmem:$0x90] =	vst v9;
	v50 =	vmul.u32 $0x28, v47;
	v30 =	vmul.f32 v30, v29;
	v23 =	vmul.f32 v23, v29  }
0x77: {  	[tilespmem:$0x190] =	vst v8;
	v8 =	vadd.s32 v51, v53;
	v56 =	vcvt.f32.s32 v55;
	v58 =	vcvt.f32.s32 v57  }
0x78: {  	[tilespmem:$0x110] =	vst v11;
	v10 =	vadd.s32 v18, v50;
	v12 =	vcvt.f32.s32 v59;
	v52 =	vtrunc.f32 v28  }
0x79: {  	[tilespmem:$0xA0] =	vst v7;
	v7 =	vmul.u32 $0x50, v56;
	v60 =	vtrunc.f32 v30;
	v54 =	vcvt.f32.s32 v52  }
0x7a: {  	[tilespmem:$0x1A0] =	vst v8;
	v9 =	vmul.u32 $0x28, v58;
	v62 =	vtrunc.f32 v23;
	v61 =	vcvt.f32.s32 v60  }
0x7b: {  	[tilespmem:$0x120] =	vst v10;
	v63 =	vmul.u32 $0x14, v12;
	v8 =	vcvt.f32.s32 v62;
	v7 =	vadd.s32 v54, v7  }
0x7c: {  	s1 =	rddreg [dreg:$0x4];
	v9 =	vadd.s32 v61, v9;
	[tilespmem:$0xB0] =	vst v7  }
0x7d: {  	s10 =	rddreg [dreg:$0x9];
	v7 =	vadd.s32 v8, v63;
	[tilespmem:$0x130] =	vst v9  }
0x7e: {  	s11 =	rddreg [dreg:$0xa];
	[tilespmem:$0x1B0] =	vst v7  }
0x7f: {  	[tilespmem:s8], [sflag:$0x1] =	stream.indirect.gather [hbm4b:s1+s10], $0x80, s11, s10, $0xb8;
	[tilespmem:$0xE200] =	vst v63  }
0x80: {  	v7 =	vld [tilespmem:$0x100];
	_ =	sdelay $0x4  }
0x81: {  	v8 =	vshll.u32 v7, $0x1  }
0x82: {  	v7 =	vand.u32 $0x7, v7;
	v8 =	vand.u32 $0xFFFFFFF0, v8  }
0x83: {  	v7 =	vor.u32 v7, v8  }
0x84: {  	v8 =	vperm.xlane v7, v4;
	_ =	sdelay $0x1  }
0x85: {  	v7 =	vperm.xlane v7, v6;
	v8 =	vadd.s32 v5, v8;
	_ =	sdelay $0x1  }
0x86: {  	v7 =	vadd.s32 v5, v7;
	_ =	sdelay $0x2  }
0x87: {  	[tilespmem:s9], [sflag:$0x1] =	stream.indirect_vreg.gather [hbm4b:s3+s2], $0x80, v8, vm0, $0xb8;
	[tilespmem:$0xE200] =	vst v63  }
0x88: {  	s11 =	rddreg [dreg:$0xb]  }
0x89: {  	[tilespmem:s11], [sflag:$0x1] =	stream.indirect_vreg.gather [hbm4b:s3+s2], $0x80, v7, vm0, $0xb8;
	[tilespmem:$0xE200] =	vst v63  }
0x8a: {  	v7 =	vld [tilespmem:$0x110];
	_ =	sdelay $0x4  }
0x8b: {  	v8 =	vshll.u32 v7, $0x1  }
0x8c: {  	v7 =	vand.u32 $0x7, v7;
	v8 =	vand.u32 $0xFFFFFFF0, v8  }
0x8d: {  	v7 =	vor.u32 v7, v8  }
0x8e: {  	v8 =	vperm.xlane v7, v4;
	_ =	sdelay $0x1  }
0x8f: {  	v7 =	vperm.xlane v7, v6;
	v8 =	vadd.s32 v5, v8;
	_ =	sdelay $0x1  }
0x90: {  	v7 =	vadd.s32 v5, v7;
	_ =	sdelay $0x1  }
0x91: {  	s10 =	rddreg [dreg:$0xc]  }
0x92: {  	[tilespmem:s10], [sflag:$0x1] =	stream.indirect_vreg.gather [hbm4b:s3+s2], $0x80, v8, vm0, $0xb8;
	[tilespmem:$0xE200] =	vst v63  }
0x93: {  	s11 =	simm.s32 $0x3A00  }
0x94: {  	[tilespmem:s11], [sflag:$0x1] =	stream.indirect_vreg.gather [hbm4b:s3+s2], $0x80, v7, vm0, $0xb8;
	[tilespmem:$0xE200] =	vst v63  }
0x95: {  	v7 =	vld [tilespmem:$0x120];
	_ =	sdelay $0x4  }
0x96: {  	v8 =	vshll.u32 v7, $0x1  }
0x97: {  	v7 =	vand.u32 $0x7, v7;
	v8 =	vand.u32 $0xFFFFFFF0, v8  }
0x98: {  	v7 =	vor.u32 v7, v8  }
0x99: {  	v8 =	vperm.xlane v7, v4;
	_ =	sdelay $0x1  }
0x9a: {  	v7 =	vperm.xlane v7, v6;
	v8 =	vadd.s32 v5, v8;
	_ =	sdelay $0x1  }
0x9b: {  	v7 =	vadd.s32 v5, v7;
	_ =	sdelay $0x1  }
0x9c: {  	s10 =	simm.s32 $0x4200  }
0x9d: {  	[tilespmem:s10], [sflag:$0x1] =	stream.indirect_vreg.gather [hbm4b:s3+s2], $0x80, v8, vm0, $0xb8;
	[tilespmem:$0xE200] =	vst v63  }
0x9e: {  	_ = 	snop  }
0x9f: {  	[tilespmem:s12], [sflag:$0x1] =	stream.indirect_vreg.gather [hbm4b:s3+s2], $0x80, v7, vm0, $0xb8;
	[tilespmem:$0xE200] =	vst v63  }
0xa0: {  	v7 =	vld [tilespmem:$0x130];
	_ =	sdelay $0x4  }
0xa1: {  	v8 =	vshll.u32 v7, $0x1  }
0xa2: {  	v7 =	vand.u32 $0x7, v7;
	v8 =	vand.u32 $0xFFFFFFF0, v8  }
0xa3: {  	v7 =	vor.u32 v7, v8  }
0xa4: {  	v8 =	vperm.xlane v7, v4;
	_ =	sdelay $0x1  }
0xa5: {  	v7 =	vperm.xlane v7, v6;
	v8 =	vadd.s32 v5, v8;
	_ =	sdelay $0x1  }
0xa6: {  	v7 =	vadd.s32 v5, v7;
	_ =	sdelay $0x2  }
0xa7: {  	[tilespmem:s13], [sflag:$0x1] =	stream.indirect_vreg.gather [hbm4b:s3+s2], $0x80, v8, vm0, $0xb8;
	[tilespmem:$0xE200] =	vst v63  }
0xa8: {  	_ = 	snop  }
0xa9: {  	[tilespmem:s14], [sflag:$0x1] =	stream.indirect_vreg.gather [hbm4b:s3+s2], $0x80, v7, vm0, $0xb8;
	[tilespmem:$0xE200] =	vst v63  }
0xaa: {  	v7 =	vld [tilespmem:$0x180];
	_ =	sdelay $0x4  }
0xab: {  	v8 =	vshll.u32 v7, $0x2  }
0xac: {  	v7 =	vand.u32 $0x7, v7;
	v8 =	vand.u32 $0xFFFFFFE0, v8  }
0xad: {  	v7 =	vor.u32 v7, v8  }
0xae: {  	v8 =	vperm.xlane v7, v4;
	_ =	sdelay $0x1  }
0xaf: {  	v8 =	vadd.s32 v5, v8;
	_ =	sdelay $0x1  }
0xb0: {  	v7 =	vperm.xlane v7, v6;
	_ =	sdelay $0x1  }
0xb1: {  	v7 =	vadd.s32 v5, v7  }
0xb2: {  	[tilespmem:s15], [sflag:$0x1] =	stream.indirect_vreg.gather [hbm4b:s4+s2], $0x80, v8, vm0, $0xb8;
	[tilespmem:$0xE200] =	vst v63  }
0xb3: {  	_ = 	snop  }
0xb4: {  	[tilespmem:s16], [sflag:$0x1] =	stream.indirect_vreg.gather [hbm4b:s5+s2], $0x80, v8, vm0, $0xb8;
	[tilespmem:$0xE200] =	vst v63  }
0xb5: {  	_ = 	snop  }
0xb6: {  	[tilespmem:s17], [sflag:$0x1] =	stream.indirect_vreg.gather [hbm4b:s4+s2], $0x80, v7, vm0, $0xb8;
	[tilespmem:$0xE200] =	vst v63  }
0xb7: {  	_ = 	snop  }
0xb8: {  	[tilespmem:s18], [sflag:$0x1] =	stream.indirect_vreg.gather [hbm4b:s5+s2], $0x80, v7, vm0, $0xb8;
	[tilespmem:$0xE200] =	vst v63  }
0xb9: {  	v7 =	vld [tilespmem:$0x190];
	_ =	sdelay $0x4  }
0xba: {  	v8 =	vshll.u32 v7, $0x2  }
0xbb: {  	v7 =	vand.u32 $0x7, v7;
	v8 =	vand.u32 $0xFFFFFFE0, v8  }
0xbc: {  	v7 =	vor.u32 v7, v8  }
0xbd: {  	v8 =	vperm.xlane v7, v4;
	_ =	sdelay $0x1  }
0xbe: {  	v8 =	vadd.s32 v5, v8;
	_ =	sdelay $0x1  }
0xbf: {  	v7 =	vperm.xlane v7, v6;
	_ =	sdelay $0x1  }
0xc0: {  	v7 =	vadd.s32 v5, v7  }
0xc1: {  	[tilespmem:s19], [sflag:$0x1] =	stream.indirect_vreg.gather [hbm4b:s4+s2], $0x80, v8, vm0, $0xb8;
	[tilespmem:$0xE200] =	vst v63  }
0xc2: {  	_ = 	snop  }
0xc3: {  	[tilespmem:s20], [sflag:$0x1] =	stream.indirect_vreg.gather [hbm4b:s5+s2], $0x80, v8, vm0, $0xb8;
	[tilespmem:$0xE200] =	vst v63  }
0xc4: {  	_ = 	snop  }
0xc5: {  	[tilespmem:s21], [sflag:$0x1] =	stream.indirect_vreg.gather [hbm4b:s4+s2], $0x80, v7, vm0, $0xb8;
	[tilespmem:$0xE200] =	vst v63  }
0xc6: {  	_ = 	snop  }
0xc7: {  	[tilespmem:s22], [sflag:$0x1] =	stream.indirect_vreg.gather [hbm4b:s5+s2], $0x80, v7, vm0, $0xb8;
	[tilespmem:$0xE200] =	vst v63  }
0xc8: {  	v7 =	vld [tilespmem:$0x1A0];
	_ =	sdelay $0x4  }
0xc9: {  	v8 =	vshll.u32 v7, $0x2  }
0xca: {  	v7 =	vand.u32 $0x7, v7;
	v8 =	vand.u32 $0xFFFFFFE0, v8  }
0xcb: {  	v7 =	vor.u32 v7, v8  }
0xcc: {  	v8 =	vperm.xlane v7, v4;
	_ =	sdelay $0x1  }
0xcd: {  	v8 =	vadd.s32 v5, v8;
	_ =	sdelay $0x1  }
0xce: {  	v7 =	vperm.xlane v7, v6;
	_ =	sdelay $0x1  }
0xcf: {  	v7 =	vadd.s32 v5, v7  }
0xd0: {  	[tilespmem:s23], [sflag:$0x1] =	stream.indirect_vreg.gather [hbm4b:s4+s2], $0x80, v8, vm0, $0xb8;
	[tilespmem:$0xE200] =	vst v63  }
0xd1: {  	_ = 	snop  }
0xd2: {  	[tilespmem:s24], [sflag:$0x1] =	stream.indirect_vreg.gather [hbm4b:s5+s2], $0x80, v8, vm0, $0xb8;
	[tilespmem:$0xE200] =	vst v63  }
0xd3: {  	_ = 	snop  }
0xd4: {  	[tilespmem:s25], [sflag:$0x1] =	stream.indirect_vreg.gather [hbm4b:s4+s2], $0x80, v7, vm0, $0xb8;
	[tilespmem:$0xE200] =	vst v63  }
0xd5: {  	_ = 	snop  }
0xd6: {  	[tilespmem:s26], [sflag:$0x1] =	stream.indirect_vreg.gather [hbm4b:s5+s2], $0x80, v7, vm0, $0xb8;
	[tilespmem:$0xE200] =	vst v63  }
0xd7: {  	v7 =	vld [tilespmem:$0x1B0];
	_ =	sdelay $0x4  }
0xd8: {  	v8 =	vshll.u32 v7, $0x2  }
0xd9: {  	v7 =	vand.u32 $0x7, v7;
	v8 =	vand.u32 $0xFFFFFFE0, v8  }
0xda: {  	v7 =	vor.u32 v7, v8  }
0xdb: {  	v8 =	vperm.xlane v7, v4;
	_ =	sdelay $0x1  }
0xdc: {  	v8 =	vadd.s32 v5, v8;
	_ =	sdelay $0x1  }
0xdd: {  	v7 =	vperm.xlane v7, v6;
	_ =	sdelay $0x1  }
0xde: {  	v7 =	vadd.s32 v5, v7  }
0xdf: {  	[tilespmem:s28], [sflag:$0x1] =	stream.indirect_vreg.gather [hbm4b:s4+s2], $0x80, v8, vm0, $0xb8;
	[tilespmem:$0xE200] =	vst v63  }
0xe0: {  	_ = 	snop  }
0xe1: {  	[tilespmem:s29], [sflag:$0x1] =	stream.indirect_vreg.gather [hbm4b:s5+s2], $0x80, v8, vm0, $0xb8;
	[tilespmem:$0xE200] =	vst v63  }
0xe2: {  	_ = 	snop  }
0xe3: {  	[tilespmem:s30], [sflag:$0x1] =	stream.indirect_vreg.gather [hbm4b:s4+s2], $0x80, v7, vm0, $0xb8;
	[tilespmem:$0xE200] =	vst v63  }
0xe4: {  	_ = 	snop  }
0xe5: {  	[tilespmem:s31], [sflag:$0x1] =	stream.indirect_vreg.gather [hbm4b:s5+s2], $0x80, v7, vm0, $0xb8;
	[tilespmem:$0xE200] =	vst v63  }
0xe6: {  	_ =	swait.ge [sflag:s0], $0x2000  }
0xe7: {  	[sflag:s0] =	ssyncset.done $0x0  }
0xe8: {  	[sflag:s0] =	ssyncadd.s32 $0xFFFFE000  }
0xe9: {  	_ =	swait.ge [sflag:s0], $0x4000  }
0xea: {  	[sflag:s0] =	ssyncset.done $0x0  }
0xeb: {  	[sflag:s0] =	ssyncadd.s32 $0xFFFFC000  }
0xec: {  	_ =	swait.ge [sflag:s0], $0x8000  }
0xed: {  	[sflag:s0] =	ssyncset.done $0x0  }
0xee: {  	s11 =	rddreg [dreg:$0x6];
	[sflag:s0] =	ssyncadd.s32 $0xFFFF8000  }
0xef: {  	[hbm4b:s11+s2] =	stream.linear.scatter [tilespmem:s8], [sflag:$0x2], $0x2000, $0x38;
	[tilespmem:$0xE200] =	vst v63  }
0xf0: {  	_ =	swait.ge [sflag:s7], $0x2000  }
0xf1: {  	[sflag:s7] =	ssyncset.done $0x0  }
0xf2: {  	s10 =	rddreg [dreg:$0x7];
	[sflag:s7] =	ssyncadd.s32 $0xFFFFE000  }
0xf3: {  	[hbm4b:s10+s2] =	stream.linear.scatter [tilespmem:s9], [sflag:$0x2], $0x4000, $0x38;
	[tilespmem:$0xE200] =	vst v63  }
0xf4: {  	_ =	swait.ge [sflag:s7], $0x4000  }
0xf5: {  	p0 =	sne.s32 s6, $0x1;
	[sflag:s7] =	ssyncset.done $0x0  }
.Ltmp0:
0xf6: {  	s11 =	rddreg [dreg:$0x8];
	[sflag:s7] =	ssyncadd.s32 $0xFFFFC000;
	(pc) =	sbr.rel @p0 .LBB2_1-.Ltmp0, $4  }
0xf7: {  	[hbm4b:s11+s2] =	stream.linear.scatter [tilespmem:s15], [sflag:$0x2], $0x8000, $0x38;
	[tilespmem:$0xE200] =	vst v63  }
0xf8: {  	_ =	swait.ge [sflag:s7], $0x8000  }
0xf9: {  	[sflag:s7] =	ssyncset.done $0x0  }
0xfa: {  	s6 =	sadd.s32 $0xFFFFFFFF, s6;
	[sflag:s7] =	ssyncadd.s32 $0xFFFF8000  }
0xfb: {  	_ =	sfence.sel $0x180000  }
0xfc: {  	[bflag:$0x0] =	sbarrier.arrive $0xFFFF  }
0xfd: {  	_ =	strace $0x90000047  }
0xfe: {  	s0 =	stileid.u32;
	[bflag:$0x2] =	sbarrier.arrive $0xFFFF  }
0xff: {  	p0 =	sne.s32 s0, $0x0;
	s0 =	rddreg [dreg:$0x3]  }
0x100: {  	s0 =	sadd.s32 @!p0 $0x100000, s0  }
0x101: {  	[sflag:s0] =	ssyncadd.tile.s32 @!p0 $0x1;
	_ =	shalt  }
.Lfunc_end2:
_tile_overlayer_lowered:
.L_overlay_start_2:
0x102: {  	(tag) =	ssettag $0x2  }
0x103: {  	s0 =	rddreg [dreg:$0x0];
	s2 =	stileid.u32  }
0x104: {  	s1 =	rddreg [dreg:$0x1];
	p0 =	sne.s32 s2, $0x0  }
0x105: {  	s3 =	rddreg [dreg:$0x2];
	[bflag:$0x3] =	sbarrier.arrive $0xFFFF;
	s2 =	simm.s32 @!p0 $0x1C02  }
0x106: {  	[timem:s3], [sflag:s2] =	dma.local @!p0 [hbm:s0], s1  }
0x107: {  	s0 =	simm.s32 @!p0 $0x2  }
0x108: {  	_ =	swait.ge @!p0 [sflag:s0], s1  }
0x109: {  	s1 =	ssub.s32 @!p0 $0x0, s1;
	[sflag:s0] =	ssyncset.done @!p0 $0x0  }
0x10a: {  	[sflag:s0] =	ssyncadd.s32 @!p0 s1  }
0x10b: {  	[bflag:$0x3] =	sbarrier.arrive $0xFFFF  }
0x10c: {  	_ =	shalt  }

</sc_bundles>
